<compile_context>
chip_gen: v7x
topology: tpu7x:2x2x1
jax: 0.10.2.dev20260603
libtpu: 0.0.44.dev20260713+nightly
codegen_flags: <defaults>
</compile_context>

<pallas_src>
import functools

import jax
import jax.numpy as jnp
import numpy as np
from jax import lax
from jax.experimental import pallas as pl
from jax.experimental.pallas import tpu as pltpu
from jax.experimental.pallas import tpu_sc as plsc

MIN_DEPTH = np.float32(0.001)
RANGE = np.float32(80.0 - 0.001)
MAX_DEPTH = np.float32(80.0)
BINS = 512
LANES = 16
NUM_CORES = 2
NUM_SUBCORES = 16
NW = NUM_CORES * NUM_SUBCORES
SC_BINS = BINS + 1
HIST_WORDS = SC_BINS * LANES


def _sc_hist_kernel(rows: int, cols: int, block_rows: int, unroll: int = 4):
    chunk_rows = rows // NW
    n_blocks = chunk_rows // block_rows
    n_vecs = block_rows * cols // LANES
    vecs_per_row = cols // LANES
    assert n_blocks % 2 == 0 and n_vecs % unroll == 0
    mesh = plsc.VectorSubcoreMesh(
        core_axis_name="c",
        subcore_axis_name="s",
        num_cores=NUM_CORES,
        num_subcores=NUM_SUBCORES,
    )
    scale = np.float32(512.0 / 79.999)
    shift_c = np.float32(0.001 - 79.999 / 512.0)

    @functools.partial(
        pl.kernel,
        out_type=(
            jax.ShapeDtypeStruct((NW * BINS,), jnp.float32),
            jax.ShapeDtypeStruct((NW * BINS,), jnp.float32),
        ),
        mesh=mesh,
        scratch_types=[
            pltpu.VMEM((2, block_rows, cols), jnp.float32),
            pltpu.VMEM((2, block_rows, cols), jnp.float32),
            pltpu.VMEM((2, block_rows, cols), jnp.float32),
            pltpu.VMEM((HIST_WORDS,), jnp.float32),
            pltpu.VMEM((HIST_WORDS,), jnp.float32),
            pltpu.VMEM((BINS,), jnp.float32),
            pltpu.VMEM((BINS,), jnp.float32),
            pltpu.SemaphoreType.DMA,
            pltpu.SemaphoreType.DMA,
            pltpu.SemaphoreType.DMA,
            pltpu.SemaphoreType.DMA,
            pltpu.SemaphoreType.DMA,
            pltpu.SemaphoreType.DMA,
        ],
        compiler_params=pltpu.CompilerParams(
            needs_layout_passes=False, use_tc_tiling_on_sc=True),
    )
    def sc_hist(x_hbm, t_hbm, m_hbm, hp_hbm, hg_hbm, xbuf, tbuf, mbuf, hp, hg,
                hp512, hg512, *sems):
        wid = lax.axis_index("s") * NUM_CORES + lax.axis_index("c")
        base = wid * chunk_rows
        lane = lax.iota(jnp.int32, 16)
        ones = jnp.full((16,), 1.0, jnp.float32)
        zeros = jnp.zeros((16,), jnp.float32)

        def zero_body(i, _):
            hp[pl.ds(i * 16, 16)] = zeros
            hg[pl.ds(i * 16, 16)] = zeros
            return 0

        lax.fori_loop(0, HIST_WORDS // 16, zero_body, 0)

        def descs(slot, b):
            off = base + b * block_rows
            return (
                pltpu.make_async_copy(
                    x_hbm.at[pl.ds(off, block_rows)], xbuf.at[slot],
                    sems[slot * 3]),
                pltpu.make_async_copy(
                    t_hbm.at[pl.ds(off, block_rows)], tbuf.at[slot],
                    sems[slot * 3 + 1]),
                pltpu.make_async_copy(
                    m_hbm.at[pl.ds(off, block_rows)], mbuf.at[slot],
                    sems[slot * 3 + 2]),
            )

        def start(slot, b):
            for d in descs(slot, b):
                d.start()

        def wait(slot, b):
            for d in descs(slot, b):
                d.wait()

        def accum(vals, mv, hist_ref):
            xm = vals * mv
            q = (xm - shift_c) * scale
            q = jnp.minimum(q, np.float32(BINS + 0.5))
            addr = q.astype(jnp.int32) * 16 + lane
            plsc.addupdate_scatter(hist_ref, [addr], ones)

        def compute(slot):
            @plsc.parallel_loop(0, n_vecs, 1, unroll=unroll)
            def vec_body(j):
                r = j // vecs_per_row
                c = (j % vecs_per_row) * 16
                mv = mbuf[slot, r, pl.ds(c, 16)]
                accum(xbuf[slot, r, pl.ds(c, 16)], mv, hp)
                accum(tbuf[slot, r, pl.ds(c, 16)], mv, hg)

        start(0, 0)

        def pair_body(i, _):
            b0 = 2 * i
            wait(0, b0)
            start(1, b0 + 1)
            compute(0)
            wait(1, b0 + 1)
            start(0, jnp.minimum(b0 + 2, n_blocks - 1))
            compute(1)
            return 0

        lax.fori_loop(0, n_blocks // 2, pair_body, 0)
        wait(0, n_blocks - 1)

        @plsc.parallel_loop(0, BINS // 16, 1, unroll=2)
        def red_body(g):
            base_addr = (g * 16 + lane + 1) * 16
            accp = plsc.load_gather(hp, [base_addr])
            accg = plsc.load_gather(hg, [base_addr])
            for k in range(1, 16):
                accp = accp + plsc.load_gather(hp, [base_addr + k])
                accg = accg + plsc.load_gather(hg, [base_addr + k])
            hp512[pl.ds(g * 16, 16)] = accp
            hg512[pl.ds(g * 16, 16)] = accg

        pltpu.sync_copy(hp512, hp_hbm.at[pl.ds(wid * BINS, BINS)])
        pltpu.sync_copy(hg512, hg_hbm.at[pl.ds(wid * BINS, BINS)])

    return sc_hist


def _cumsum512(h):
    acc = h
    s = 1
    while s < BINS:
        shifted = jnp.concatenate(
            [jnp.zeros((s,), jnp.float32), acc[: BINS - s]], axis=0
        )
        acc = acc + shifted
        s *= 2
    return acc


def _tc_loss_body(hp_ref, hg_ref, out_ref):
    hp = jnp.sum(hp_ref[...], axis=0)
    hg = jnp.sum(hg_ref[...], axis=0)
    cdf_p = _cumsum512(hp)
    cdf_g = _cumsum512(hg)
    tot_p = cdf_p[BINS - 1]
    tot_g = cdf_g[BINS - 1]
    diff = jnp.abs(cdf_p / tot_p - cdf_g / tot_g)
    loss = jnp.sum(diff) / jnp.float32(float(BINS))
    out_ref[...] = jnp.broadcast_to(loss, (1, 1))


@jax.jit
def kernel(input, target, mask):
    rows = input.size // 512
    x = input.reshape(rows, 512)
    t = target.reshape(rows, 512)
    m = mask.reshape(rows, 512).astype(jnp.float32)
    hp_raw, hg_raw = _sc_hist_kernel(rows, 512, 16)(x, t, m)
    hp2 = hp_raw.reshape(NW, BINS)
    hg2 = hg_raw.reshape(NW, BINS)
    loss = pl.pallas_call(
        _tc_loss_body,
        out_shape=jax.ShapeDtypeStruct((1, 1), jnp.float32),
    )(hp2, hg2)
    return loss[0, 0]

# --- scband reference (transcript-rebuilt; emitter-appended) ---
"""Pipeline reference for scband-histogram-matching-loss-4896262717617 (READ-ONLY COPY).

The authoritative reference and input builder live on the scoring server;
editing this copy changes nothing except your own understanding.
"""

import jax, jax.numpy as jnp
import numpy as np

MIN_DEPTH = 0.001
MAX_DEPTH = 80.0
BINS = 512


def _histc(x, bins, mn, mx):
    # torch.histc semantics: values < mn or > mx are ignored; x == mx goes to last bin
    x = x.ravel()
    valid = (x >= mn) & (x <= mx)
    idx = jnp.floor((x - mn) * bins / (mx - mn)).astype(jnp.int32)
    idx = jnp.clip(idx, 0, bins - 1)
    contrib = jnp.where(valid, 1.0, 0.0).astype(jnp.float32)
    hist = jnp.zeros((bins,), dtype=jnp.float32).at[idx].add(contrib)
    return hist


def setup_inputs(seed: int = 0) -> dict:
    key = jax.random.key(seed)
    k1, k2, k3 = jax.random.split(key, 3)
    shape = (32, 1, 512, 512)
    # depth-like values inside [MIN_DEPTH, MAX_DEPTH]
    input_ = jax.random.uniform(k1, shape, dtype=jnp.float32) * MAX_DEPTH
    target = jax.random.uniform(k2, shape, dtype=jnp.float32) * MAX_DEPTH
    mask = jax.random.randint(k3, shape, 0, 2).astype(bool)
    return {"input": input_, "target": target, "mask": mask}


def reference(input, target, mask):
    # shapes match -> no interpolation branch taken
    inp = jnp.where(mask, input, 0.0)
    tgt = jnp.where(mask, target, 0.0)
    pred_hist = _histc(inp, BINS, MIN_DEPTH, MAX_DEPTH)
    gt_hist = _histc(tgt, BINS, MIN_DEPTH, MAX_DEPTH)
    pred_hist = pred_hist / jnp.sum(pred_hist, axis=0, keepdims=True)
    gt_hist = gt_hist / jnp.sum(gt_hist, axis=0, keepdims=True)
    cdf_pred = jnp.cumsum(pred_hist, axis=0)
    cdf_gt = jnp.cumsum(gt_hist, axis=0)
    loss = jnp.mean(jnp.abs(cdf_pred - cdf_gt))
    return loss

if __name__ == "__main__":
    import jax
    _d = setup_inputs()
    print(jax.jit(kernel)(*tuple(_d.values())))

</pallas_src>

<mosaic_0001>
#map = affine_map<(d0, d1) -> (0, 0)>
#map1 = affine_map<(d0, d1) -> (0)>
module attributes {stable_mosaic.version = 14 : i64} {
  func.func @sc_hist(%arg0: i32, %arg1: i32, %arg2: memref<16384x512xf32, #tpu.memory_space<hbm>>, %arg3: memref<16384x512xf32, #tpu.memory_space<hbm>>, %arg4: memref<16384x512xf32, #tpu.memory_space<hbm>>, %arg5: memref<16384xf32, #tpu.memory_space<hbm>>, %arg6: memref<16384xf32, #tpu.memory_space<hbm>>, %arg7: memref<2x16x512xf32, #tpu.memory_space<vmem>>, %arg8: memref<2x16x512xf32, #tpu.memory_space<vmem>>, %arg9: memref<2x16x512xf32, #tpu.memory_space<vmem>>, %arg10: memref<8208xf32, #tpu.memory_space<vmem>>, %arg11: memref<8208xf32, #tpu.memory_space<vmem>>, %arg12: memref<512xf32, #tpu.memory_space<vmem>>, %arg13: memref<512xf32, #tpu.memory_space<vmem>>, %arg14: memref<!tpu.dma_semaphore, #tpu.memory_space<semaphore_mem>>, %arg15: memref<!tpu.dma_semaphore, #tpu.memory_space<semaphore_mem>>, %arg16: memref<!tpu.dma_semaphore, #tpu.memory_space<semaphore_mem>>, %arg17: memref<!tpu.dma_semaphore, #tpu.memory_space<semaphore_mem>>, %arg18: memref<!tpu.dma_semaphore, #tpu.memory_space<semaphore_mem>>, %arg19: memref<!tpu.dma_semaphore, #tpu.memory_space<semaphore_mem>>) attributes {dimension_semantics = [#tpu.dimension_semantics<core_parallel>, #tpu.dimension_semantics<subcore_parallel>], iteration_bounds = array<i64: 2, 16>, scalar_prefetch = 0 : i64, scratch_operands = 13 : i64, tpu.core_type = #tpu.core_type<sc_vector_subcore>, window_params = [{transform_indices = #map}, {transform_indices = #map}, {transform_indices = #map}, {transform_indices = #map1}, {transform_indices = #map1}]} {
    %mul3A = arith.constant 2 : i32
    %mul3A_0 = arith.muli %arg1, %mul3A : i32
    %add3A = arith.addi %mul3A_0, %arg0 : i32
    %mul3A_1 = arith.constant 512 : i32
    %mul3A_2 = arith.muli %add3A, %mul3A_1 : i32
    %iota3A = tpu.iota {dimensions = array<i32: 0>} : vector<16xi32>
    %broadcast_in_dim3A = arith.constant 1.000000e+00 : f32
    %broadcast_in_dim3A_3 = vector.broadcast %broadcast_in_dim3A : f32 to vector<16xf32>
    %broadcast_in_dim3A_4 = arith.constant 0.000000e+00 : f32
    %broadcast_in_dim3A_5 = vector.broadcast %broadcast_in_dim3A_4 : f32 to vector<16xf32>
    %scan3A = arith.constant 0 : i32
    %scan3A_6 = arith.constant 0 : i32
    %scan3A_7 = arith.constant 513 : i32
    %scan3A_8 = arith.addi %scan3A_6, %scan3A_7 : i32
    %scan3A_9 = arith.constant 1 : i32
    %scan3A_10 = scf.for %scan3A_105 = %scan3A_6 to %scan3A_8 step %scan3A_9 iter_args(%scan3A_106 = %scan3A) -> (i32)  : i32 {
      %mul3A_107 = arith.constant 16 : i32
      %mul3A_108 = arith.muli %scan3A_105, %mul3A_107 : i32
      %swap3A = arith.index_cast %mul3A_108 : i32 to index
      %swap3A_109 = tpu.vector_load %arg10[%swap3A] {strides = array<i32>} : memref<8208xf32, #tpu.memory_space<vmem>>, vector<16xf32>,
      tpu.vector_store %arg10[%swap3A], %broadcast_in_dim3A_5 {strides = array<i32>} : memref<8208xf32, #tpu.memory_space<vmem>>, vector<16xf32>,
      %mul3A_110 = arith.constant 16 : i32
      %mul3A_111 = arith.muli %scan3A_105, %mul3A_110 : i32
      %swap3A_112 = arith.index_cast %mul3A_111 : i32 to index
      %swap3A_113 = tpu.vector_load %arg11[%swap3A_112] {strides = array<i32>} : memref<8208xf32, #tpu.memory_space<vmem>>, vector<16xf32>,
      tpu.vector_store %arg11[%swap3A_112], %broadcast_in_dim3A_5 {strides = array<i32>} : memref<8208xf32, #tpu.memory_space<vmem>>, vector<16xf32>,
      %scan3A_114 = arith.constant 0 : i32
      scf.yield %scan3A_114 : i32
    }
    %scan3A_11 = arith.constant 513 : i32
    %add3A_12 = arith.constant 0 : i32
    %add3A_13 = arith.addi %mul3A_2, %add3A_12 : i32
    %dma_start3A = arith.constant 0 : i32
    %dma_start3A_14 = arith.constant 0 : i32
    %dma_start3A_15 = arith.constant 0 : i32
    %dma_start3A_16 = tpu.memref_slice %arg7[%dma_start3A, %dma_start3A_14, %dma_start3A_15] : memref<2x16x512xf32, #tpu.memory_space<vmem>> -> memref<1x16x512xf32, #tpu.memory_space<vmem>>
    %dma_start3A_17 = tpu.memref_squeeze %dma_start3A_16 : memref<1x16x512xf32, #tpu.memory_space<vmem>> -> memref<16x512xf32, #tpu.memory_space<vmem>>
    %dma_start3A_18 = arith.constant 0 : i32
    %dma_start3A_19 = tpu.memref_slice %arg2[%add3A_13, %dma_start3A_18] : memref<16384x512xf32, #tpu.memory_space<hbm>> -> memref<16x512xf32, #tpu.memory_space<hbm>>
    %dma_start3A_20 = arith.constant 0 : i32
    %dma_start3A_21 = arith.constant 0 : i32
    %dma_start3A_22 = tpu.memref_slice %arg7[%dma_start3A, %dma_start3A_20, %dma_start3A_21] : memref<2x16x512xf32, #tpu.memory_space<vmem>> -> memref<1x16x512xf32, #tpu.memory_space<vmem>>
    %dma_start3A_23 = tpu.memref_squeeze %dma_start3A_22 : memref<1x16x512xf32, #tpu.memory_space<vmem>> -> memref<16x512xf32, #tpu.memory_space<vmem>>
    %dma_start3A_24 = arith.constant 0 : i32
    %dma_start3A_25 = tpu.memref_slice %arg2[%add3A_13, %dma_start3A_24] : memref<16384x512xf32, #tpu.memory_space<hbm>> -> memref<16x512xf32, #tpu.memory_space<hbm>>
    tpu.enqueue_dma source(%dma_start3A_25 : memref<16x512xf32, #tpu.memory_space<hbm>>) target(%dma_start3A_23 : memref<16x512xf32, #tpu.memory_space<vmem>>) target_semaphore(%arg14 : memref<!tpu.dma_semaphore, #tpu.memory_space<semaphore_mem>>)
    %dma_start3A_26 = arith.constant 0 : i32
    %dma_start3A_27 = arith.constant 0 : i32
    %dma_start3A_28 = arith.constant 0 : i32
    %dma_start3A_29 = tpu.memref_slice %arg8[%dma_start3A_26, %dma_start3A_27, %dma_start3A_28] : memref<2x16x512xf32, #tpu.memory_space<vmem>> -> memref<1x16x512xf32, #tpu.memory_space<vmem>>
    %dma_start3A_30 = tpu.memref_squeeze %dma_start3A_29 : memref<1x16x512xf32, #tpu.memory_space<vmem>> -> memref<16x512xf32, #tpu.memory_space<vmem>>
    %dma_start3A_31 = arith.constant 0 : i32
    %dma_start3A_32 = tpu.memref_slice %arg3[%add3A_13, %dma_start3A_31] : memref<16384x512xf32, #tpu.memory_space<hbm>> -> memref<16x512xf32, #tpu.memory_space<hbm>>
    %dma_start3A_33 = arith.constant 0 : i32
    %dma_start3A_34 = arith.constant 0 : i32
    %dma_start3A_35 = tpu.memref_slice %arg8[%dma_start3A_26, %dma_start3A_33, %dma_start3A_34] : memref<2x16x512xf32, #tpu.memory_space<vmem>> -> memref<1x16x512xf32, #tpu.memory_space<vmem>>
    %dma_start3A_36 = tpu.memref_squeeze %dma_start3A_35 : memref<1x16x512xf32, #tpu.memory_space<vmem>> -> memref<16x512xf32, #tpu.memory_space<vmem>>
    %dma_start3A_37 = arith.constant 0 : i32
    %dma_start3A_38 = tpu.memref_slice %arg3[%add3A_13, %dma_start3A_37] : memref<16384x512xf32, #tpu.memory_space<hbm>> -> memref<16x512xf32, #tpu.memory_space<hbm>>
    tpu.enqueue_dma source(%dma_start3A_38 : memref<16x512xf32, #tpu.memory_space<hbm>>) target(%dma_start3A_36 : memref<16x512xf32, #tpu.memory_space<vmem>>) target_semaphore(%arg15 : memref<!tpu.dma_semaphore, #tpu.memory_space<semaphore_mem>>)
    %dma_start3A_39 = arith.constant 0 : i32
    %dma_start3A_40 = arith.constant 0 : i32
    %dma_start3A_41 = arith.constant 0 : i32
    %dma_start3A_42 = tpu.memref_slice %arg9[%dma_start3A_39, %dma_start3A_40, %dma_start3A_41] : memref<2x16x512xf32, #tpu.memory_space<vmem>> -> memref<1x16x512xf32, #tpu.memory_space<vmem>>
    %dma_start3A_43 = tpu.memref_squeeze %dma_start3A_42 : memref<1x16x512xf32, #tpu.memory_space<vmem>> -> memref<16x512xf32, #tpu.memory_space<vmem>>
    %dma_start3A_44 = arith.constant 0 : i32
    %dma_start3A_45 = tpu.memref_slice %arg4[%add3A_13, %dma_start3A_44] : memref<16384x512xf32, #tpu.memory_space<hbm>> -> memref<16x512xf32, #tpu.memory_space<hbm>>
    %dma_start3A_46 = arith.constant 0 : i32
    %dma_start3A_47 = arith.constant 0 : i32
    %dma_start3A_48 = tpu.memref_slice %arg9[%dma_start3A_39, %dma_start3A_46, %dma_start3A_47] : memref<2x16x512xf32, #tpu.memory_space<vmem>> -> memref<1x16x512xf32, #tpu.memory_space<vmem>>
    %dma_start3A_49 = tpu.memref_squeeze %dma_start3A_48 : memref<1x16x512xf32, #tpu.memory_space<vmem>> -> memref<16x512xf32, #tpu.memory_space<vmem>>
    %dma_start3A_50 = arith.constant 0 : i32
    %dma_start3A_51 = tpu.memref_slice %arg4[%add3A_13, %dma_start3A_50] : memref<16384x512xf32, #tpu.memory_space<hbm>> -> memref<16x512xf32, #tpu.memory_space<hbm>>
    tpu.enqueue_dma source(%dma_start3A_51 : memref<16x512xf32, #tpu.memory_space<hbm>>) target(%dma_start3A_49 : memref<16x512xf32, #tpu.memory_space<vmem>>) target_semaphore(%arg16 : memref<!tpu.dma_semaphore, #tpu.memory_space<semaphore_mem>>)
    %scan3A_52 = arith.constant 0 : i32
    %scan3A_53 = arith.constant 0 : i32
    %scan3A_54 = arith.constant 16 : i32
    %scan3A_55 = arith.addi %scan3A_53, %scan3A_54 : i32
    %scan3A_56 = arith.constant 1 : i32
    %scan3A_57 = scf.for %scan3A_105 = %scan3A_53 to %scan3A_55 step %scan3A_56 iter_args(%scan3A_106 = %scan3A_52) -> (i32)  : i32 {
      %mul3A_107 = arith.constant 2 : i32
      %mul3A_108 = arith.muli %mul3A_107, %scan3A_105 : i32
      %mul3A_109 = arith.constant 16 : i32
      %mul3A_110 = arith.muli %mul3A_108, %mul3A_109 : i32
      %add3A_111 = arith.addi %mul3A_2, %mul3A_110 : i32
      %dma_wait3A_112 = arith.constant 0 : i32
      %dma_wait3A_113 = arith.constant 0 : i32
      %dma_wait3A_114 = arith.constant 0 : i32
      %dma_wait3A_115 = tpu.memref_slice %arg7[%dma_wait3A_112, %dma_wait3A_113, %dma_wait3A_114] : memref<2x16x512xf32, #tpu.memory_space<vmem>> -> memref<1x16x512xf32, #tpu.memory_space<vmem>>
      %dma_wait3A_116 = tpu.memref_squeeze %dma_wait3A_115 : memref<1x16x512xf32, #tpu.memory_space<vmem>> -> memref<16x512xf32, #tpu.memory_space<vmem>>
      %dma_wait3A_117 = arith.constant 0 : i32
      %dma_wait3A_118 = tpu.memref_slice %arg2[%add3A_111, %dma_wait3A_117] : memref<16384x512xf32, #tpu.memory_space<hbm>> -> memref<16x512xf32, #tpu.memory_space<hbm>>
      %dma_wait3A_119 = arith.constant 0 : i32
      %dma_wait3A_120 = arith.constant 0 : i32
      %dma_wait3A_121 = tpu.memref_slice %arg7[%dma_wait3A_112, %dma_wait3A_119, %dma_wait3A_120] : memref<2x16x512xf32, #tpu.memory_space<vmem>> -> memref<1x16x512xf32, #tpu.memory_space<vmem>>
      %dma_wait3A_122 = tpu.memref_squeeze %dma_wait3A_121 : memref<1x16x512xf32, #tpu.memory_space<vmem>> -> memref<16x512xf32, #tpu.memory_space<vmem>>
      %dma_wait3A_123 = arith.constant 0 : i32
      %dma_wait3A_124 = tpu.memref_slice %arg2[%add3A_111, %dma_wait3A_123] : memref<16384x512xf32, #tpu.memory_space<hbm>> -> memref<16x512xf32, #tpu.memory_space<hbm>>
      tpu.wait_dma2 semaphore(%arg14 : memref<!tpu.dma_semaphore, #tpu.memory_space<semaphore_mem>>) src(%dma_wait3A_124 : memref<16x512xf32, #tpu.memory_space<hbm>>) dst(%dma_wait3A_122 : memref<16x512xf32, #tpu.memory_space<vmem>>)
      %dma_wait3A_125 = arith.constant 0 : i32
      %dma_wait3A_126 = arith.constant 0 : i32
      %dma_wait3A_127 = arith.constant 0 : i32
      %dma_wait3A_128 = tpu.memref_slice %arg8[%dma_wait3A_125, %dma_wait3A_126, %dma_wait3A_127] : memref<2x16x512xf32, #tpu.memory_space<vmem>> -> memref<1x16x512xf32, #tpu.memory_space<vmem>>
      %dma_wait3A_129 = tpu.memref_squeeze %dma_wait3A_128 : memref<1x16x512xf32, #tpu.memory_space<vmem>> -> memref<16x512xf32, #tpu.memory_space<vmem>>
      %dma_wait3A_130 = arith.constant 0 : i32
      %dma_wait3A_131 = tpu.memref_slice %arg3[%add3A_111, %dma_wait3A_130] : memref<16384x512xf32, #tpu.memory_space<hbm>> -> memref<16x512xf32, #tpu.memory_space<hbm>>
      %dma_wait3A_132 = arith.constant 0 : i32
      %dma_wait3A_133 = arith.constant 0 : i32
      %dma_wait3A_134 = tpu.memref_slice %arg8[%dma_wait3A_125, %dma_wait3A_132, %dma_wait3A_133] : memref<2x16x512xf32, #tpu.memory_space<vmem>> -> memref<1x16x512xf32, #tpu.memory_space<vmem>>
      %dma_wait3A_135 = tpu.memref_squeeze %dma_wait3A_134 : memref<1x16x512xf32, #tpu.memory_space<vmem>> -> memref<16x512xf32, #tpu.memory_space<vmem>>
      %dma_wait3A_136 = arith.constant 0 : i32
      %dma_wait3A_137 = tpu.memref_slice %arg3[%add3A_111, %dma_wait3A_136] : memref<16384x512xf32, #tpu.memory_space<hbm>> -> memref<16x512xf32, #tpu.memory_space<hbm>>
      tpu.wait_dma2 semaphore(%arg15 : memref<!tpu.dma_semaphore, #tpu.memory_space<semaphore_mem>>) src(%dma_wait3A_137 : memref<16x512xf32, #tpu.memory_space<hbm>>) dst(%dma_wait3A_135 : memref<16x512xf32, #tpu.memory_space<vmem>>)
      %dma_wait3A_138 = arith.constant 0 : i32
      %dma_wait3A_139 = arith.constant 0 : i32
      %dma_wait3A_140 = arith.constant 0 : i32
      %dma_wait3A_141 = tpu.memref_slice %arg9[%dma_wait3A_138, %dma_wait3A_139, %dma_wait3A_140] : memref<2x16x512xf32, #tpu.memory_space<vmem>> -> memref<1x16x512xf32, #tpu.memory_space<vmem>>
      %dma_wait3A_142 = tpu.memref_squeeze %dma_wait3A_141 : memref<1x16x512xf32, #tpu.memory_space<vmem>> -> memref<16x512xf32, #tpu.memory_space<vmem>>
      %dma_wait3A_143 = arith.constant 0 : i32
      %dma_wait3A_144 = tpu.memref_slice %arg4[%add3A_111, %dma_wait3A_143] : memref<16384x512xf32, #tpu.memory_space<hbm>> -> memref<16x512xf32, #tpu.memory_space<hbm>>
      %dma_wait3A_145 = arith.constant 0 : i32
      %dma_wait3A_146 = arith.constant 0 : i32
      %dma_wait3A_147 = tpu.memref_slice %arg9[%dma_wait3A_138, %dma_wait3A_145, %dma_wait3A_146] : memref<2x16x512xf32, #tpu.memory_space<vmem>> -> memref<1x16x512xf32, #tpu.memory_space<vmem>>
      %dma_wait3A_148 = tpu.memref_squeeze %dma_wait3A_147 : memref<1x16x512xf32, #tpu.memory_space<vmem>> -> memref<16x512xf32, #tpu.memory_space<vmem>>
      %dma_wait3A_149 = arith.constant 0 : i32
      %dma_wait3A_150 = tpu.memref_slice %arg4[%add3A_111, %dma_wait3A_149] : memref<16384x512xf32, #tpu.memory_space<hbm>> -> memref<16x512xf32, #tpu.memory_space<hbm>>
      tpu.wait_dma2 semaphore(%arg16 : memref<!tpu.dma_semaphore, #tpu.memory_space<semaphore_mem>>) src(%dma_wait3A_150 : memref<16x512xf32, #tpu.memory_space<hbm>>) dst(%dma_wait3A_148 : memref<16x512xf32, #tpu.memory_space<vmem>>)
      %add3A_151 = arith.constant 1 : i32
      %add3A_152 = arith.addi %mul3A_108, %add3A_151 : i32
      %mul3A_153 = arith.constant 16 : i32
      %mul3A_154 = arith.muli %add3A_152, %mul3A_153 : i32
      %add3A_155 = arith.addi %mul3A_2, %mul3A_154 : i32
      %dma_start3A_156 = arith.constant 1 : i32
      %dma_start3A_157 = arith.constant 0 : i32
      %dma_start3A_158 = arith.constant 0 : i32
      %dma_start3A_159 = tpu.memref_slice %arg7[%dma_start3A_156, %dma_start3A_157, %dma_start3A_158] : memref<2x16x512xf32, #tpu.memory_space<vmem>> -> memref<1x16x512xf32, #tpu.memory_space<vmem>>
      %dma_start3A_160 = tpu.memref_squeeze %dma_start3A_159 : memref<1x16x512xf32, #tpu.memory_space<vmem>> -> memref<16x512xf32, #tpu.memory_space<vmem>>
      %dma_start3A_161 = arith.constant 0 : i32
      %dma_start3A_162 = tpu.memref_slice %arg2[%add3A_155, %dma_start3A_161] : memref<16384x512xf32, #tpu.memory_space<hbm>> -> memref<16x512xf32, #tpu.memory_space<hbm>>
      %dma_start3A_163 = arith.constant 0 : i32
      %dma_start3A_164 = arith.constant 0 : i32
      %dma_start3A_165 = tpu.memref_slice %arg7[%dma_start3A_156, %dma_start3A_163, %dma_start3A_164] : memref<2x16x512xf32, #tpu.memory_space<vmem>> -> memref<1x16x512xf32, #tpu.memory_space<vmem>>
      %dma_start3A_166 = tpu.memref_squeeze %dma_start3A_165 : memref<1x16x512xf32, #tpu.memory_space<vmem>> -> memref<16x512xf32, #tpu.memory_space<vmem>>
      %dma_start3A_167 = arith.constant 0 : i32
      %dma_start3A_168 = tpu.memref_slice %arg2[%add3A_155, %dma_start3A_167] : memref<16384x512xf32, #tpu.memory_space<hbm>> -> memref<16x512xf32, #tpu.memory_space<hbm>>
      tpu.enqueue_dma source(%dma_start3A_168 : memref<16x512xf32, #tpu.memory_space<hbm>>) target(%dma_start3A_166 : memref<16x512xf32, #tpu.memory_space<vmem>>) target_semaphore(%arg17 : memref<!tpu.dma_semaphore, #tpu.memory_space<semaphore_mem>>)
      %dma_start3A_169 = arith.constant 1 : i32
      %dma_start3A_170 = arith.constant 0 : i32
      %dma_start3A_171 = arith.constant 0 : i32
      %dma_start3A_172 = tpu.memref_slice %arg8[%dma_start3A_169, %dma_start3A_170, %dma_start3A_171] : memref<2x16x512xf32, #tpu.memory_space<vmem>> -> memref<1x16x512xf32, #tpu.memory_space<vmem>>
      %dma_start3A_173 = tpu.memref_squeeze %dma_start3A_172 : memref<1x16x512xf32, #tpu.memory_space<vmem>> -> memref<16x512xf32, #tpu.memory_space<vmem>>
      %dma_start3A_174 = arith.constant 0 : i32
      %dma_start3A_175 = tpu.memref_slice %arg3[%add3A_155, %dma_start3A_174] : memref<16384x512xf32, #tpu.memory_space<hbm>> -> memref<16x512xf32, #tpu.memory_space<hbm>>
      %dma_start3A_176 = arith.constant 0 : i32
      %dma_start3A_177 = arith.constant 0 : i32
      %dma_start3A_178 = tpu.memref_slice %arg8[%dma_start3A_169, %dma_start3A_176, %dma_start3A_177] : memref<2x16x512xf32, #tpu.memory_space<vmem>> -> memref<1x16x512xf32, #tpu.memory_space<vmem>>
      %dma_start3A_179 = tpu.memref_squeeze %dma_start3A_178 : memref<1x16x512xf32, #tpu.memory_space<vmem>> -> memref<16x512xf32, #tpu.memory_space<vmem>>
      %dma_start3A_180 = arith.constant 0 : i32
      %dma_start3A_181 = tpu.memref_slice %arg3[%add3A_155, %dma_start3A_180] : memref<16384x512xf32, #tpu.memory_space<hbm>> -> memref<16x512xf32, #tpu.memory_space<hbm>>
      tpu.enqueue_dma source(%dma_start3A_181 : memref<16x512xf32, #tpu.memory_space<hbm>>) target(%dma_start3A_179 : memref<16x512xf32, #tpu.memory_space<vmem>>) target_semaphore(%arg18 : memref<!tpu.dma_semaphore, #tpu.memory_space<semaphore_mem>>)
      %dma_start3A_182 = arith.constant 1 : i32
      %dma_start3A_183 = arith.constant 0 : i32
      %dma_start3A_184 = arith.constant 0 : i32
      %dma_start3A_185 = tpu.memref_slice %arg9[%dma_start3A_182, %dma_start3A_183, %dma_start3A_184] : memref<2x16x512xf32, #tpu.memory_space<vmem>> -> memref<1x16x512xf32, #tpu.memory_space<vmem>>
      %dma_start3A_186 = tpu.memref_squeeze %dma_start3A_185 : memref<1x16x512xf32, #tpu.memory_space<vmem>> -> memref<16x512xf32, #tpu.memory_space<vmem>>
      %dma_start3A_187 = arith.constant 0 : i32
      %dma_start3A_188 = tpu.memref_slice %arg4[%add3A_155, %dma_start3A_187] : memref<16384x512xf32, #tpu.memory_space<hbm>> -> memref<16x512xf32, #tpu.memory_space<hbm>>
      %dma_start3A_189 = arith.constant 0 : i32
      %dma_start3A_190 = arith.constant 0 : i32
      %dma_start3A_191 = tpu.memref_slice %arg9[%dma_start3A_182, %dma_start3A_189, %dma_start3A_190] : memref<2x16x512xf32, #tpu.memory_space<vmem>> -> memref<1x16x512xf32, #tpu.memory_space<vmem>>
      %dma_start3A_192 = tpu.memref_squeeze %dma_start3A_191 : memref<1x16x512xf32, #tpu.memory_space<vmem>> -> memref<16x512xf32, #tpu.memory_space<vmem>>
      %dma_start3A_193 = arith.constant 0 : i32
      %dma_start3A_194 = tpu.memref_slice %arg4[%add3A_155, %dma_start3A_193] : memref<16384x512xf32, #tpu.memory_space<hbm>> -> memref<16x512xf32, #tpu.memory_space<hbm>>
      tpu.enqueue_dma source(%dma_start3A_194 : memref<16x512xf32, #tpu.memory_space<hbm>>) target(%dma_start3A_192 : memref<16x512xf32, #tpu.memory_space<vmem>>) target_semaphore(%arg19 : memref<!tpu.dma_semaphore, #tpu.memory_space<semaphore_mem>>)
      %parallel_loop3A_195 = arith.constant 0 : i32
      %parallel_loop3A_196 = arith.constant 512 : i32
      %parallel_loop3A_197 = arith.constant 1 : i32
      scf.for %parallel_loop3A_291 = %parallel_loop3A_195 to %parallel_loop3A_196 step %parallel_loop3A_197  : i32 {
        %parallel_loop3A_292 = arith.constant 32 : i32
        %parallel_loop3A_293 = arith.divsi %parallel_loop3A_291, %parallel_loop3A_292 : i32
        %parallel_loop3A_294 = arith.constant 0 : i32
        %parallel_loop3A_295 = arith.cmpi sgt, %parallel_loop3A_291, %parallel_loop3A_294 : i32
        %parallel_loop3A_296 = arith.extui %parallel_loop3A_295 : i1 to i32
        %parallel_loop3A_297 = arith.constant 0 : i32
        %parallel_loop3A_298 = arith.cmpi slt, %parallel_loop3A_291, %parallel_loop3A_297 : i32
        %parallel_loop3A_299 = arith.extui %parallel_loop3A_298 : i1 to i32
        %parallel_loop3A_300 = arith.subi %parallel_loop3A_296, %parallel_loop3A_299 : i32
        %parallel_loop3A_301 = arith.constant 0 : i32
        %parallel_loop3A_302 = arith.cmpi sgt, %parallel_loop3A_292, %parallel_loop3A_301 : i32
        %parallel_loop3A_303 = arith.extui %parallel_loop3A_302 : i1 to i32
        %parallel_loop3A_304 = arith.constant 0 : i32
        %parallel_loop3A_305 = arith.cmpi slt, %parallel_loop3A_292, %parallel_loop3A_304 : i32
        %parallel_loop3A_306 = arith.extui %parallel_loop3A_305 : i1 to i32
        %parallel_loop3A_307 = arith.subi %parallel_loop3A_303, %parallel_loop3A_306 : i32
        %parallel_loop3A_308 = arith.cmpi ne, %parallel_loop3A_300, %parallel_loop3A_307 : i32
        %parallel_loop3A_309 = arith.remsi %parallel_loop3A_291, %parallel_loop3A_292 : i32
        %parallel_loop3A_310 = arith.constant 0 : i32
        %parallel_loop3A_311 = arith.cmpi ne, %parallel_loop3A_309, %parallel_loop3A_310 : i32
        %parallel_loop3A_312 = arith.andi %parallel_loop3A_308, %parallel_loop3A_311 : i1
        %parallel_loop3A_313 = arith.constant 1 : i32
        %parallel_loop3A_314 = arith.subi %parallel_loop3A_293, %parallel_loop3A_313 : i32
        %parallel_loop3A_315 = arith.select %parallel_loop3A_312, %parallel_loop3A_314, %parallel_loop3A_293 : i32
        %parallel_loop3A_316 = arith.constant 32 : i32
        %parallel_loop3A_317 = arith.constant 0 : i32
        %parallel_loop3A_318 = arith.cmpi eq, %parallel_loop3A_316, %parallel_loop3A_317 : i32
        %parallel_loop3A_319 = arith.constant 1 : i32
        %parallel_loop3A_320 = arith.select %parallel_loop3A_318, %parallel_loop3A_319, %parallel_loop3A_316 : i32
        %parallel_loop3A_321 = arith.remsi %parallel_loop3A_291, %parallel_loop3A_320 : i32
        %parallel_loop3A_322 = arith.constant 0 : i32
        %parallel_loop3A_323 = arith.cmpi ne, %parallel_loop3A_321, %parallel_loop3A_322 : i32
        %parallel_loop3A_324 = arith.constant 0 : i32
        %parallel_loop3A_325 = arith.cmpi slt, %parallel_loop3A_321, %parallel_loop3A_324 : i32
        %parallel_loop3A_326 = arith.constant 0 : i32
        %parallel_loop3A_327 = arith.cmpi slt, %parallel_loop3A_320, %parallel_loop3A_326 : i32
        %parallel_loop3A_328 = arith.xori %parallel_loop3A_325, %parallel_loop3A_327 : i1
        %parallel_loop3A_329 = arith.andi %parallel_loop3A_328, %parallel_loop3A_323 : i1
        %parallel_loop3A_330 = arith.addi %parallel_loop3A_321, %parallel_loop3A_320 : i32
        %parallel_loop3A_331 = arith.select %parallel_loop3A_329, %parallel_loop3A_330, %parallel_loop3A_321 : i32
        %parallel_loop3A_332 = arith.constant 16 : i32
        %parallel_loop3A_333 = arith.muli %parallel_loop3A_331, %parallel_loop3A_332 : i32
        %parallel_loop3A_334 = arith.constant 0 : i32
        %parallel_loop3A_335 = arith.index_cast %parallel_loop3A_334 : i32 to index
        %parallel_loop3A_336 = arith.index_cast %parallel_loop3A_315 : i32 to index
        %parallel_loop3A_337 = arith.index_cast %parallel_loop3A_333 : i32 to index
        %parallel_loop3A_338 = tpu.vector_load %arg9[%parallel_loop3A_335, %parallel_loop3A_336, %parallel_loop3A_337] {strides = array<i32>} : memref<2x16x512xf32, #tpu.memory_space<vmem>>, vector<16xf32>,
        %parallel_loop3A_339 = arith.constant 0 : i32
        %parallel_loop3A_340 = arith.index_cast %parallel_loop3A_339 : i32 to index
        %parallel_loop3A_341 = arith.index_cast %parallel_loop3A_315 : i32 to index
        %parallel_loop3A_342 = arith.index_cast %parallel_loop3A_333 : i32 to index
        %parallel_loop3A_343 = tpu.vector_load %arg7[%parallel_loop3A_340, %parallel_loop3A_341, %parallel_loop3A_342] {strides = array<i32>} : memref<2x16x512xf32, #tpu.memory_space<vmem>>, vector<16xf32>,
        %parallel_loop3A_344 = arith.mulf %parallel_loop3A_343, %parallel_loop3A_338 : vector<16xf32>
        %parallel_loop3A_345 = arith.constant -0.155248046 : f32
        %parallel_loop3A_346 = vector.broadcast %parallel_loop3A_345 : f32 to vector<16xf32>
        %parallel_loop3A_347 = arith.subf %parallel_loop3A_344, %parallel_loop3A_346 : vector<16xf32>
        %parallel_loop3A_348 = arith.constant 6.400080e+00 : f32
        %parallel_loop3A_349 = vector.broadcast %parallel_loop3A_348 : f32 to vector<16xf32>
        %parallel_loop3A_350 = arith.mulf %parallel_loop3A_347, %parallel_loop3A_349 : vector<16xf32>
        %parallel_loop3A_351 = arith.constant 5.125000e+02 : f32
        %parallel_loop3A_352 = vector.broadcast %parallel_loop3A_351 : f32 to vector<16xf32>
        %parallel_loop3A_353 = arith.minimumf %parallel_loop3A_350, %parallel_loop3A_352 : vector<16xf32>
        %parallel_loop3A_354 = arith.fptosi %parallel_loop3A_353 : vector<16xf32> to vector<16xi32>
        %parallel_loop3A_355 = arith.constant 16 : i32
        %parallel_loop3A_356 = vector.broadcast %parallel_loop3A_355 : i32 to vector<16xi32>
        %parallel_loop3A_357 = arith.muli %parallel_loop3A_354, %parallel_loop3A_356 : vector<16xi32>
        %parallel_loop3A_358 = arith.addi %parallel_loop3A_357, %iota3A : vector<16xi32>
        tpu.vector_store_idx %arg10[%parallel_loop3A_358], %broadcast_in_dim3A_3 {add = true} : memref<8208xf32, #tpu.memory_space<vmem>>[vector<16xi32>], vector<16xf32>,
        %parallel_loop3A_359 = arith.constant 0 : i32
        %parallel_loop3A_360 = arith.index_cast %parallel_loop3A_359 : i32 to index
        %parallel_loop3A_361 = arith.index_cast %parallel_loop3A_315 : i32 to index
        %parallel_loop3A_362 = arith.index_cast %parallel_loop3A_333 : i32 to index
        %parallel_loop3A_363 = tpu.vector_load %arg8[%parallel_loop3A_360, %parallel_loop3A_361, %parallel_loop3A_362] {strides = array<i32>} : memref<2x16x512xf32, #tpu.memory_space<vmem>>, vector<16xf32>,
        %parallel_loop3A_364 = arith.mulf %parallel_loop3A_363, %parallel_loop3A_338 : vector<16xf32>
        %parallel_loop3A_365 = arith.constant -0.155248046 : f32
        %parallel_loop3A_366 = vector.broadcast %parallel_loop3A_365 : f32 to vector<16xf32>
        %parallel_loop3A_367 = arith.subf %parallel_loop3A_364, %parallel_loop3A_366 : vector<16xf32>
        %parallel_loop3A_368 = arith.constant 6.400080e+00 : f32
        %parallel_loop3A_369 = vector.broadcast %parallel_loop3A_368 : f32 to vector<16xf32>
        %parallel_loop3A_370 = arith.mulf %parallel_loop3A_367, %parallel_loop3A_369 : vector<16xf32>
        %parallel_loop3A_371 = arith.constant 5.125000e+02 : f32
        %parallel_loop3A_372 = vector.broadcast %parallel_loop3A_371 : f32 to vector<16xf32>
        %parallel_loop3A_373 = arith.minimumf %parallel_loop3A_370, %parallel_loop3A_372 : vector<16xf32>
        %parallel_loop3A_374 = arith.fptosi %parallel_loop3A_373 : vector<16xf32> to vector<16xi32>
        %parallel_loop3A_375 = arith.constant 16 : i32
        %parallel_loop3A_376 = vector.broadcast %parallel_loop3A_375 : i32 to vector<16xi32>
        %parallel_loop3A_377 = arith.muli %parallel_loop3A_374, %parallel_loop3A_376 : vector<16xi32>
        %parallel_loop3A_378 = arith.addi %parallel_loop3A_377, %iota3A : vector<16xi32>
        tpu.vector_store_idx %arg11[%parallel_loop3A_378], %broadcast_in_dim3A_3 {add = true} : memref<8208xf32, #tpu.memory_space<vmem>>[vector<16xi32>], vector<16xf32>,
      } {sc.loop_unroll_factor = 4 : i64, sc.parallel_access}
      %add3A_198 = arith.constant 1 : i32
      %add3A_199 = arith.addi %mul3A_108, %add3A_198 : i32
      %mul3A_200 = arith.constant 16 : i32
      %mul3A_201 = arith.muli %add3A_199, %mul3A_200 : i32
      %add3A_202 = arith.addi %mul3A_2, %mul3A_201 : i32
      %dma_wait3A_203 = arith.constant 1 : i32
      %dma_wait3A_204 = arith.constant 0 : i32
      %dma_wait3A_205 = arith.constant 0 : i32
      %dma_wait3A_206 = tpu.memref_slice %arg7[%dma_wait3A_203, %dma_wait3A_204, %dma_wait3A_205] : memref<2x16x512xf32, #tpu.memory_space<vmem>> -> memref<1x16x512xf32, #tpu.memory_space<vmem>>
      %dma_wait3A_207 = tpu.memref_squeeze %dma_wait3A_206 : memref<1x16x512xf32, #tpu.memory_space<vmem>> -> memref<16x512xf32, #tpu.memory_space<vmem>>
      %dma_wait3A_208 = arith.constant 0 : i32
      %dma_wait3A_209 = tpu.memref_slice %arg2[%add3A_202, %dma_wait3A_208] : memref<16384x512xf32, #tpu.memory_space<hbm>> -> memref<16x512xf32, #tpu.memory_space<hbm>>
      %dma_wait3A_210 = arith.constant 0 : i32
      %dma_wait3A_211 = arith.constant 0 : i32
      %dma_wait3A_212 = tpu.memref_slice %arg7[%dma_wait3A_203, %dma_wait3A_210, %dma_wait3A_211] : memref<2x16x512xf32, #tpu.memory_space<vmem>> -> memref<1x16x512xf32, #tpu.memory_space<vmem>>
      %dma_wait3A_213 = tpu.memref_squeeze %dma_wait3A_212 : memref<1x16x512xf32, #tpu.memory_space<vmem>> -> memref<16x512xf32, #tpu.memory_space<vmem>>
      %dma_wait3A_214 = arith.constant 0 : i32
      %dma_wait3A_215 = tpu.memref_slice %arg2[%add3A_202, %dma_wait3A_214] : memref<16384x512xf32, #tpu.memory_space<hbm>> -> memref<16x512xf32, #tpu.memory_space<hbm>>
      tpu.wait_dma2 semaphore(%arg17 : memref<!tpu.dma_semaphore, #tpu.memory_space<semaphore_mem>>) src(%dma_wait3A_215 : memref<16x512xf32, #tpu.memory_space<hbm>>) dst(%dma_wait3A_213 : memref<16x512xf32, #tpu.memory_space<vmem>>)
      %dma_wait3A_216 = arith.constant 1 : i32
      %dma_wait3A_217 = arith.constant 0 : i32
      %dma_wait3A_218 = arith.constant 0 : i32
      %dma_wait3A_219 = tpu.memref_slice %arg8[%dma_wait3A_216, %dma_wait3A_217, %dma_wait3A_218] : memref<2x16x512xf32, #tpu.memory_space<vmem>> -> memref<1x16x512xf32, #tpu.memory_space<vmem>>
      %dma_wait3A_220 = tpu.memref_squeeze %dma_wait3A_219 : memref<1x16x512xf32, #tpu.memory_space<vmem>> -> memref<16x512xf32, #tpu.memory_space<vmem>>
      %dma_wait3A_221 = arith.constant 0 : i32
      %dma_wait3A_222 = tpu.memref_slice %arg3[%add3A_202, %dma_wait3A_221] : memref<16384x512xf32, #tpu.memory_space<hbm>> -> memref<16x512xf32, #tpu.memory_space<hbm>>
      %dma_wait3A_223 = arith.constant 0 : i32
      %dma_wait3A_224 = arith.constant 0 : i32
      %dma_wait3A_225 = tpu.memref_slice %arg8[%dma_wait3A_216, %dma_wait3A_223, %dma_wait3A_224] : memref<2x16x512xf32, #tpu.memory_space<vmem>> -> memref<1x16x512xf32, #tpu.memory_space<vmem>>
      %dma_wait3A_226 = tpu.memref_squeeze %dma_wait3A_225 : memref<1x16x512xf32, #tpu.memory_space<vmem>> -> memref<16x512xf32, #tpu.memory_space<vmem>>
      %dma_wait3A_227 = arith.constant 0 : i32
      %dma_wait3A_228 = tpu.memref_slice %arg3[%add3A_202, %dma_wait3A_227] : memref<16384x512xf32, #tpu.memory_space<hbm>> -> memref<16x512xf32, #tpu.memory_space<hbm>>
      tpu.wait_dma2 semaphore(%arg18 : memref<!tpu.dma_semaphore, #tpu.memory_space<semaphore_mem>>) src(%dma_wait3A_228 : memref<16x512xf32, #tpu.memory_space<hbm>>) dst(%dma_wait3A_226 : memref<16x512xf32, #tpu.memory_space<vmem>>)
      %dma_wait3A_229 = arith.constant 1 : i32
      %dma_wait3A_230 = arith.constant 0 : i32
      %dma_wait3A_231 = arith.constant 0 : i32
      %dma_wait3A_232 = tpu.memref_slice %arg9[%dma_wait3A_229, %dma_wait3A_230, %dma_wait3A_231] : memref<2x16x512xf32, #tpu.memory_space<vmem>> -> memref<1x16x512xf32, #tpu.memory_space<vmem>>
      %dma_wait3A_233 = tpu.memref_squeeze %dma_wait3A_232 : memref<1x16x512xf32, #tpu.memory_space<vmem>> -> memref<16x512xf32, #tpu.memory_space<vmem>>
      %dma_wait3A_234 = arith.constant 0 : i32
      %dma_wait3A_235 = tpu.memref_slice %arg4[%add3A_202, %dma_wait3A_234] : memref<16384x512xf32, #tpu.memory_space<hbm>> -> memref<16x512xf32, #tpu.memory_space<hbm>>
      %dma_wait3A_236 = arith.constant 0 : i32
      %dma_wait3A_237 = arith.constant 0 : i32
      %dma_wait3A_238 = tpu.memref_slice %arg9[%dma_wait3A_229, %dma_wait3A_236, %dma_wait3A_237] : memref<2x16x512xf32, #tpu.memory_space<vmem>> -> memref<1x16x512xf32, #tpu.memory_space<vmem>>
      %dma_wait3A_239 = tpu.memref_squeeze %dma_wait3A_238 : memref<1x16x512xf32, #tpu.memory_space<vmem>> -> memref<16x512xf32, #tpu.memory_space<vmem>>
      %dma_wait3A_240 = arith.constant 0 : i32
      %dma_wait3A_241 = tpu.memref_slice %arg4[%add3A_202, %dma_wait3A_240] : memref<16384x512xf32, #tpu.memory_space<hbm>> -> memref<16x512xf32, #tpu.memory_space<hbm>>
      tpu.wait_dma2 semaphore(%arg19 : memref<!tpu.dma_semaphore, #tpu.memory_space<semaphore_mem>>) src(%dma_wait3A_241 : memref<16x512xf32, #tpu.memory_space<hbm>>) dst(%dma_wait3A_239 : memref<16x512xf32, #tpu.memory_space<vmem>>)
      %add3A_242 = arith.constant 2 : i32
      %add3A_243 = arith.addi %mul3A_108, %add3A_242 : i32
      %min3A = arith.constant 31 : i32
      %min3A_244 = arith.minsi %add3A_243, %min3A : i32
      %mul3A_245 = arith.constant 16 : i32
      %mul3A_246 = arith.muli %min3A_244, %mul3A_245 : i32
      %add3A_247 = arith.addi %mul3A_2, %mul3A_246 : i32
      %dma_start3A_248 = arith.constant 0 : i32
      %dma_start3A_249 = arith.constant 0 : i32
      %dma_start3A_250 = arith.constant 0 : i32
      %dma_start3A_251 = tpu.memref_slice %arg7[%dma_start3A_248, %dma_start3A_249, %dma_start3A_250] : memref<2x16x512xf32, #tpu.memory_space<vmem>> -> memref<1x16x512xf32, #tpu.memory_space<vmem>>
      %dma_start3A_252 = tpu.memref_squeeze %dma_start3A_251 : memref<1x16x512xf32, #tpu.memory_space<vmem>> -> memref<16x512xf32, #tpu.memory_space<vmem>>
      %dma_start3A_253 = arith.constant 0 : i32
      %dma_start3A_254 = tpu.memref_slice %arg2[%add3A_247, %dma_start3A_253] : memref<16384x512xf32, #tpu.memory_space<hbm>> -> memref<16x512xf32, #tpu.memory_space<hbm>>
      %dma_start3A_255 = arith.constant 0 : i32
      %dma_start3A_256 = arith.constant 0 : i32
      %dma_start3A_257 = tpu.memref_slice %arg7[%dma_start3A_248, %dma_start3A_255, %dma_start3A_256] : memref<2x16x512xf32, #tpu.memory_space<vmem>> -> memref<1x16x512xf32, #tpu.memory_space<vmem>>
      %dma_start3A_258 = tpu.memref_squeeze %dma_start3A_257 : memref<1x16x512xf32, #tpu.memory_space<vmem>> -> memref<16x512xf32, #tpu.memory_space<vmem>>
      %dma_start3A_259 = arith.constant 0 : i32
      %dma_start3A_260 = tpu.memref_slice %arg2[%add3A_247, %dma_start3A_259] : memref<16384x512xf32, #tpu.memory_space<hbm>> -> memref<16x512xf32, #tpu.memory_space<hbm>>
      tpu.enqueue_dma source(%dma_start3A_260 : memref<16x512xf32, #tpu.memory_space<hbm>>) target(%dma_start3A_258 : memref<16x512xf32, #tpu.memory_space<vmem>>) target_semaphore(%arg14 : memref<!tpu.dma_semaphore, #tpu.memory_space<semaphore_mem>>)
      %dma_start3A_261 = arith.constant 0 : i32
      %dma_start3A_262 = arith.constant 0 : i32
      %dma_start3A_263 = arith.constant 0 : i32
      %dma_start3A_264 = tpu.memref_slice %arg8[%dma_start3A_261, %dma_start3A_262, %dma_start3A_263] : memref<2x16x512xf32, #tpu.memory_space<vmem>> -> memref<1x16x512xf32, #tpu.memory_space<vmem>>
      %dma_start3A_265 = tpu.memref_squeeze %dma_start3A_264 : memref<1x16x512xf32, #tpu.memory_space<vmem>> -> memref<16x512xf32, #tpu.memory_space<vmem>>
      %dma_start3A_266 = arith.constant 0 : i32
      %dma_start3A_267 = tpu.memref_slice %arg3[%add3A_247, %dma_start3A_266] : memref<16384x512xf32, #tpu.memory_space<hbm>> -> memref<16x512xf32, #tpu.memory_space<hbm>>
      %dma_start3A_268 = arith.constant 0 : i32
      %dma_start3A_269 = arith.constant 0 : i32
      %dma_start3A_270 = tpu.memref_slice %arg8[%dma_start3A_261, %dma_start3A_268, %dma_start3A_269] : memref<2x16x512xf32, #tpu.memory_space<vmem>> -> memref<1x16x512xf32, #tpu.memory_space<vmem>>
      %dma_start3A_271 = tpu.memref_squeeze %dma_start3A_270 : memref<1x16x512xf32, #tpu.memory_space<vmem>> -> memref<16x512xf32, #tpu.memory_space<vmem>>
      %dma_start3A_272 = arith.constant 0 : i32
      %dma_start3A_273 = tpu.memref_slice %arg3[%add3A_247, %dma_start3A_272] : memref<16384x512xf32, #tpu.memory_space<hbm>> -> memref<16x512xf32, #tpu.memory_space<hbm>>
      tpu.enqueue_dma source(%dma_start3A_273 : memref<16x512xf32, #tpu.memory_space<hbm>>) target(%dma_start3A_271 : memref<16x512xf32, #tpu.memory_space<vmem>>) target_semaphore(%arg15 : memref<!tpu.dma_semaphore, #tpu.memory_space<semaphore_mem>>)
      %dma_start3A_274 = arith.constant 0 : i32
      %dma_start3A_275 = arith.constant 0 : i32
      %dma_start3A_276 = arith.constant 0 : i32
      %dma_start3A_277 = tpu.memref_slice %arg9[%dma_start3A_274, %dma_start3A_275, %dma_start3A_276] : memref<2x16x512xf32, #tpu.memory_space<vmem>> -> memref<1x16x512xf32, #tpu.memory_space<vmem>>
      %dma_start3A_278 = tpu.memref_squeeze %dma_start3A_277 : memref<1x16x512xf32, #tpu.memory_space<vmem>> -> memref<16x512xf32, #tpu.memory_space<vmem>>
      %dma_start3A_279 = arith.constant 0 : i32
      %dma_start3A_280 = tpu.memref_slice %arg4[%add3A_247, %dma_start3A_279] : memref<16384x512xf32, #tpu.memory_space<hbm>> -> memref<16x512xf32, #tpu.memory_space<hbm>>
      %dma_start3A_281 = arith.constant 0 : i32
      %dma_start3A_282 = arith.constant 0 : i32
      %dma_start3A_283 = tpu.memref_slice %arg9[%dma_start3A_274, %dma_start3A_281, %dma_start3A_282] : memref<2x16x512xf32, #tpu.memory_space<vmem>> -> memref<1x16x512xf32, #tpu.memory_space<vmem>>
      %dma_start3A_284 = tpu.memref_squeeze %dma_start3A_283 : memref<1x16x512xf32, #tpu.memory_space<vmem>> -> memref<16x512xf32, #tpu.memory_space<vmem>>
      %dma_start3A_285 = arith.constant 0 : i32
      %dma_start3A_286 = tpu.memref_slice %arg4[%add3A_247, %dma_start3A_285] : memref<16384x512xf32, #tpu.memory_space<hbm>> -> memref<16x512xf32, #tpu.memory_space<hbm>>
      tpu.enqueue_dma source(%dma_start3A_286 : memref<16x512xf32, #tpu.memory_space<hbm>>) target(%dma_start3A_284 : memref<16x512xf32, #tpu.memory_space<vmem>>) target_semaphore(%arg16 : memref<!tpu.dma_semaphore, #tpu.memory_space<semaphore_mem>>)
      %parallel_loop3A_287 = arith.constant 0 : i32
      %parallel_loop3A_288 = arith.constant 512 : i32
      %parallel_loop3A_289 = arith.constant 1 : i32
      scf.for %parallel_loop3A_291 = %parallel_loop3A_287 to %parallel_loop3A_288 step %parallel_loop3A_289  : i32 {
        %parallel_loop3A_292 = arith.constant 32 : i32
        %parallel_loop3A_293 = arith.divsi %parallel_loop3A_291, %parallel_loop3A_292 : i32
        %parallel_loop3A_294 = arith.constant 0 : i32
        %parallel_loop3A_295 = arith.cmpi sgt, %parallel_loop3A_291, %parallel_loop3A_294 : i32
        %parallel_loop3A_296 = arith.extui %parallel_loop3A_295 : i1 to i32
        %parallel_loop3A_297 = arith.constant 0 : i32
        %parallel_loop3A_298 = arith.cmpi slt, %parallel_loop3A_291, %parallel_loop3A_297 : i32
        %parallel_loop3A_299 = arith.extui %parallel_loop3A_298 : i1 to i32
        %parallel_loop3A_300 = arith.subi %parallel_loop3A_296, %parallel_loop3A_299 : i32
        %parallel_loop3A_301 = arith.constant 0 : i32
        %parallel_loop3A_302 = arith.cmpi sgt, %parallel_loop3A_292, %parallel_loop3A_301 : i32
        %parallel_loop3A_303 = arith.extui %parallel_loop3A_302 : i1 to i32
        %parallel_loop3A_304 = arith.constant 0 : i32
        %parallel_loop3A_305 = arith.cmpi slt, %parallel_loop3A_292, %parallel_loop3A_304 : i32
        %parallel_loop3A_306 = arith.extui %parallel_loop3A_305 : i1 to i32
        %parallel_loop3A_307 = arith.subi %parallel_loop3A_303, %parallel_loop3A_306 : i32
        %parallel_loop3A_308 = arith.cmpi ne, %parallel_loop3A_300, %parallel_loop3A_307 : i32
        %parallel_loop3A_309 = arith.remsi %parallel_loop3A_291, %parallel_loop3A_292 : i32
        %parallel_loop3A_310 = arith.constant 0 : i32
        %parallel_loop3A_311 = arith.cmpi ne, %parallel_loop3A_309, %parallel_loop3A_310 : i32
        %parallel_loop3A_312 = arith.andi %parallel_loop3A_308, %parallel_loop3A_311 : i1
        %parallel_loop3A_313 = arith.constant 1 : i32
        %parallel_loop3A_314 = arith.subi %parallel_loop3A_293, %parallel_loop3A_313 : i32
        %parallel_loop3A_315 = arith.select %parallel_loop3A_312, %parallel_loop3A_314, %parallel_loop3A_293 : i32
        %parallel_loop3A_316 = arith.constant 32 : i32
        %parallel_loop3A_317 = arith.constant 0 : i32
        %parallel_loop3A_318 = arith.cmpi eq, %parallel_loop3A_316, %parallel_loop3A_317 : i32
        %parallel_loop3A_319 = arith.constant 1 : i32
        %parallel_loop3A_320 = arith.select %parallel_loop3A_318, %parallel_loop3A_319, %parallel_loop3A_316 : i32
        %parallel_loop3A_321 = arith.remsi %parallel_loop3A_291, %parallel_loop3A_320 : i32
        %parallel_loop3A_322 = arith.constant 0 : i32
        %parallel_loop3A_323 = arith.cmpi ne, %parallel_loop3A_321, %parallel_loop3A_322 : i32
        %parallel_loop3A_324 = arith.constant 0 : i32
        %parallel_loop3A_325 = arith.cmpi slt, %parallel_loop3A_321, %parallel_loop3A_324 : i32
        %parallel_loop3A_326 = arith.constant 0 : i32
        %parallel_loop3A_327 = arith.cmpi slt, %parallel_loop3A_320, %parallel_loop3A_326 : i32
        %parallel_loop3A_328 = arith.xori %parallel_loop3A_325, %parallel_loop3A_327 : i1
        %parallel_loop3A_329 = arith.andi %parallel_loop3A_328, %parallel_loop3A_323 : i1
        %parallel_loop3A_330 = arith.addi %parallel_loop3A_321, %parallel_loop3A_320 : i32
        %parallel_loop3A_331 = arith.select %parallel_loop3A_329, %parallel_loop3A_330, %parallel_loop3A_321 : i32
        %parallel_loop3A_332 = arith.constant 16 : i32
        %parallel_loop3A_333 = arith.muli %parallel_loop3A_331, %parallel_loop3A_332 : i32
        %parallel_loop3A_334 = arith.constant 1 : i32
        %parallel_loop3A_335 = arith.index_cast %parallel_loop3A_334 : i32 to index
        %parallel_loop3A_336 = arith.index_cast %parallel_loop3A_315 : i32 to index
        %parallel_loop3A_337 = arith.index_cast %parallel_loop3A_333 : i32 to index
        %parallel_loop3A_338 = tpu.vector_load %arg9[%parallel_loop3A_335, %parallel_loop3A_336, %parallel_loop3A_337] {strides = array<i32>} : memref<2x16x512xf32, #tpu.memory_space<vmem>>, vector<16xf32>,
        %parallel_loop3A_339 = arith.constant 1 : i32
        %parallel_loop3A_340 = arith.index_cast %parallel_loop3A_339 : i32 to index
        %parallel_loop3A_341 = arith.index_cast %parallel_loop3A_315 : i32 to index
        %parallel_loop3A_342 = arith.index_cast %parallel_loop3A_333 : i32 to index
        %parallel_loop3A_343 = tpu.vector_load %arg7[%parallel_loop3A_340, %parallel_loop3A_341, %parallel_loop3A_342] {strides = array<i32>} : memref<2x16x512xf32, #tpu.memory_space<vmem>>, vector<16xf32>,
        %parallel_loop3A_344 = arith.mulf %parallel_loop3A_343, %parallel_loop3A_338 : vector<16xf32>
        %parallel_loop3A_345 = arith.constant -0.155248046 : f32
        %parallel_loop3A_346 = vector.broadcast %parallel_loop3A_345 : f32 to vector<16xf32>
        %parallel_loop3A_347 = arith.subf %parallel_loop3A_344, %parallel_loop3A_346 : vector<16xf32>
        %parallel_loop3A_348 = arith.constant 6.400080e+00 : f32
        %parallel_loop3A_349 = vector.broadcast %parallel_loop3A_348 : f32 to vector<16xf32>
        %parallel_loop3A_350 = arith.mulf %parallel_loop3A_347, %parallel_loop3A_349 : vector<16xf32>
        %parallel_loop3A_351 = arith.constant 5.125000e+02 : f32
        %parallel_loop3A_352 = vector.broadcast %parallel_loop3A_351 : f32 to vector<16xf32>
        %parallel_loop3A_353 = arith.minimumf %parallel_loop3A_350, %parallel_loop3A_352 : vector<16xf32>
        %parallel_loop3A_354 = arith.fptosi %parallel_loop3A_353 : vector<16xf32> to vector<16xi32>
        %parallel_loop3A_355 = arith.constant 16 : i32
        %parallel_loop3A_356 = vector.broadcast %parallel_loop3A_355 : i32 to vector<16xi32>
        %parallel_loop3A_357 = arith.muli %parallel_loop3A_354, %parallel_loop3A_356 : vector<16xi32>
        %parallel_loop3A_358 = arith.addi %parallel_loop3A_357, %iota3A : vector<16xi32>
        tpu.vector_store_idx %arg10[%parallel_loop3A_358], %broadcast_in_dim3A_3 {add = true} : memref<8208xf32, #tpu.memory_space<vmem>>[vector<16xi32>], vector<16xf32>,
        %parallel_loop3A_359 = arith.constant 1 : i32
        %parallel_loop3A_360 = arith.index_cast %parallel_loop3A_359 : i32 to index
        %parallel_loop3A_361 = arith.index_cast %parallel_loop3A_315 : i32 to index
        %parallel_loop3A_362 = arith.index_cast %parallel_loop3A_333 : i32 to index
        %parallel_loop3A_363 = tpu.vector_load %arg8[%parallel_loop3A_360, %parallel_loop3A_361, %parallel_loop3A_362] {strides = array<i32>} : memref<2x16x512xf32, #tpu.memory_space<vmem>>, vector<16xf32>,
        %parallel_loop3A_364 = arith.mulf %parallel_loop3A_363, %parallel_loop3A_338 : vector<16xf32>
        %parallel_loop3A_365 = arith.constant -0.155248046 : f32
        %parallel_loop3A_366 = vector.broadcast %parallel_loop3A_365 : f32 to vector<16xf32>
        %parallel_loop3A_367 = arith.subf %parallel_loop3A_364, %parallel_loop3A_366 : vector<16xf32>
        %parallel_loop3A_368 = arith.constant 6.400080e+00 : f32
        %parallel_loop3A_369 = vector.broadcast %parallel_loop3A_368 : f32 to vector<16xf32>
        %parallel_loop3A_370 = arith.mulf %parallel_loop3A_367, %parallel_loop3A_369 : vector<16xf32>
        %parallel_loop3A_371 = arith.constant 5.125000e+02 : f32
        %parallel_loop3A_372 = vector.broadcast %parallel_loop3A_371 : f32 to vector<16xf32>
        %parallel_loop3A_373 = arith.minimumf %parallel_loop3A_370, %parallel_loop3A_372 : vector<16xf32>
        %parallel_loop3A_374 = arith.fptosi %parallel_loop3A_373 : vector<16xf32> to vector<16xi32>
        %parallel_loop3A_375 = arith.constant 16 : i32
        %parallel_loop3A_376 = vector.broadcast %parallel_loop3A_375 : i32 to vector<16xi32>
        %parallel_loop3A_377 = arith.muli %parallel_loop3A_374, %parallel_loop3A_376 : vector<16xi32>
        %parallel_loop3A_378 = arith.addi %parallel_loop3A_377, %iota3A : vector<16xi32>
        tpu.vector_store_idx %arg11[%parallel_loop3A_378], %broadcast_in_dim3A_3 {add = true} : memref<8208xf32, #tpu.memory_space<vmem>>[vector<16xi32>], vector<16xf32>,
      } {sc.loop_unroll_factor = 4 : i64, sc.parallel_access}
      %scan3A_290 = arith.constant 0 : i32
      scf.yield %scan3A_290 : i32
    }
    %scan3A_58 = arith.constant 16 : i32
    %add3A_59 = arith.constant 496 : i32
    %add3A_60 = arith.addi %mul3A_2, %add3A_59 : i32
    %dma_wait3A = arith.constant 0 : i32
    %dma_wait3A_61 = arith.constant 0 : i32
    %dma_wait3A_62 = arith.constant 0 : i32
    %dma_wait3A_63 = tpu.memref_slice %arg7[%dma_wait3A, %dma_wait3A_61, %dma_wait3A_62] : memref<2x16x512xf32, #tpu.memory_space<vmem>> -> memref<1x16x512xf32, #tpu.memory_space<vmem>>
    %dma_wait3A_64 = tpu.memref_squeeze %dma_wait3A_63 : memref<1x16x512xf32, #tpu.memory_space<vmem>> -> memref<16x512xf32, #tpu.memory_space<vmem>>
    %dma_wait3A_65 = arith.constant 0 : i32
    %dma_wait3A_66 = tpu.memref_slice %arg2[%add3A_60, %dma_wait3A_65] : memref<16384x512xf32, #tpu.memory_space<hbm>> -> memref<16x512xf32, #tpu.memory_space<hbm>>
    %dma_wait3A_67 = arith.constant 0 : i32
    %dma_wait3A_68 = arith.constant 0 : i32
    %dma_wait3A_69 = tpu.memref_slice %arg7[%dma_wait3A, %dma_wait3A_67, %dma_wait3A_68] : memref<2x16x512xf32, #tpu.memory_space<vmem>> -> memref<1x16x512xf32, #tpu.memory_space<vmem>>
    %dma_wait3A_70 = tpu.memref_squeeze %dma_wait3A_69 : memref<1x16x512xf32, #tpu.memory_space<vmem>> -> memref<16x512xf32, #tpu.memory_space<vmem>>
    %dma_wait3A_71 = arith.constant 0 : i32
    %dma_wait3A_72 = tpu.memref_slice %arg2[%add3A_60, %dma_wait3A_71] : memref<16384x512xf32, #tpu.memory_space<hbm>> -> memref<16x512xf32, #tpu.memory_space<hbm>>
    tpu.wait_dma2 semaphore(%arg14 : memref<!tpu.dma_semaphore, #tpu.memory_space<semaphore_mem>>) src(%dma_wait3A_72 : memref<16x512xf32, #tpu.memory_space<hbm>>) dst(%dma_wait3A_70 : memref<16x512xf32, #tpu.memory_space<vmem>>)
    %dma_wait3A_73 = arith.constant 0 : i32
    %dma_wait3A_74 = arith.constant 0 : i32
    %dma_wait3A_75 = arith.constant 0 : i32
    %dma_wait3A_76 = tpu.memref_slice %arg8[%dma_wait3A_73, %dma_wait3A_74, %dma_wait3A_75] : memref<2x16x512xf32, #tpu.memory_space<vmem>> -> memref<1x16x512xf32, #tpu.memory_space<vmem>>
    %dma_wait3A_77 = tpu.memref_squeeze %dma_wait3A_76 : memref<1x16x512xf32, #tpu.memory_space<vmem>> -> memref<16x512xf32, #tpu.memory_space<vmem>>
    %dma_wait3A_78 = arith.constant 0 : i32
    %dma_wait3A_79 = tpu.memref_slice %arg3[%add3A_60, %dma_wait3A_78] : memref<16384x512xf32, #tpu.memory_space<hbm>> -> memref<16x512xf32, #tpu.memory_space<hbm>>
    %dma_wait3A_80 = arith.constant 0 : i32
    %dma_wait3A_81 = arith.constant 0 : i32
    %dma_wait3A_82 = tpu.memref_slice %arg8[%dma_wait3A_73, %dma_wait3A_80, %dma_wait3A_81] : memref<2x16x512xf32, #tpu.memory_space<vmem>> -> memref<1x16x512xf32, #tpu.memory_space<vmem>>
    %dma_wait3A_83 = tpu.memref_squeeze %dma_wait3A_82 : memref<1x16x512xf32, #tpu.memory_space<vmem>> -> memref<16x512xf32, #tpu.memory_space<vmem>>
    %dma_wait3A_84 = arith.constant 0 : i32
    %dma_wait3A_85 = tpu.memref_slice %arg3[%add3A_60, %dma_wait3A_84] : memref<16384x512xf32, #tpu.memory_space<hbm>> -> memref<16x512xf32, #tpu.memory_space<hbm>>
    tpu.wait_dma2 semaphore(%arg15 : memref<!tpu.dma_semaphore, #tpu.memory_space<semaphore_mem>>) src(%dma_wait3A_85 : memref<16x512xf32, #tpu.memory_space<hbm>>) dst(%dma_wait3A_83 : memref<16x512xf32, #tpu.memory_space<vmem>>)
    %dma_wait3A_86 = arith.constant 0 : i32
    %dma_wait3A_87 = arith.constant 0 : i32
    %dma_wait3A_88 = arith.constant 0 : i32
    %dma_wait3A_89 = tpu.memref_slice %arg9[%dma_wait3A_86, %dma_wait3A_87, %dma_wait3A_88] : memref<2x16x512xf32, #tpu.memory_space<vmem>> -> memref<1x16x512xf32, #tpu.memory_space<vmem>>
    %dma_wait3A_90 = tpu.memref_squeeze %dma_wait3A_89 : memref<1x16x512xf32, #tpu.memory_space<vmem>> -> memref<16x512xf32, #tpu.memory_space<vmem>>
    %dma_wait3A_91 = arith.constant 0 : i32
    %dma_wait3A_92 = tpu.memref_slice %arg4[%add3A_60, %dma_wait3A_91] : memref<16384x512xf32, #tpu.memory_space<hbm>> -> memref<16x512xf32, #tpu.memory_space<hbm>>
    %dma_wait3A_93 = arith.constant 0 : i32
    %dma_wait3A_94 = arith.constant 0 : i32
    %dma_wait3A_95 = tpu.memref_slice %arg9[%dma_wait3A_86, %dma_wait3A_93, %dma_wait3A_94] : memref<2x16x512xf32, #tpu.memory_space<vmem>> -> memref<1x16x512xf32, #tpu.memory_space<vmem>>
    %dma_wait3A_96 = tpu.memref_squeeze %dma_wait3A_95 : memref<1x16x512xf32, #tpu.memory_space<vmem>> -> memref<16x512xf32, #tpu.memory_space<vmem>>
    %dma_wait3A_97 = arith.constant 0 : i32
    %dma_wait3A_98 = tpu.memref_slice %arg4[%add3A_60, %dma_wait3A_97] : memref<16384x512xf32, #tpu.memory_space<hbm>> -> memref<16x512xf32, #tpu.memory_space<hbm>>
    tpu.wait_dma2 semaphore(%arg16 : memref<!tpu.dma_semaphore, #tpu.memory_space<semaphore_mem>>) src(%dma_wait3A_98 : memref<16x512xf32, #tpu.memory_space<hbm>>) dst(%dma_wait3A_96 : memref<16x512xf32, #tpu.memory_space<vmem>>)
    %parallel_loop3A = arith.constant 0 : i32
    %parallel_loop3A_99 = arith.constant 32 : i32
    %parallel_loop3A_100 = arith.constant 1 : i32
    scf.for %parallel_loop3A_105 = %parallel_loop3A to %parallel_loop3A_99 step %parallel_loop3A_100  : i32 {
      %parallel_loop3A_106 = arith.constant 16 : i32
      %parallel_loop3A_107 = arith.muli %parallel_loop3A_105, %parallel_loop3A_106 : i32
      %parallel_loop3A_108 = vector.broadcast %parallel_loop3A_107 : i32 to vector<16xi32>
      %parallel_loop3A_109 = arith.addi %parallel_loop3A_108, %iota3A : vector<16xi32>
      %parallel_loop3A_110 = arith.constant 1 : i32
      %parallel_loop3A_111 = vector.broadcast %parallel_loop3A_110 : i32 to vector<16xi32>
      %parallel_loop3A_112 = arith.addi %parallel_loop3A_109, %parallel_loop3A_111 : vector<16xi32>
      %parallel_loop3A_113 = arith.constant 16 : i32
      %parallel_loop3A_114 = vector.broadcast %parallel_loop3A_113 : i32 to vector<16xi32>
      %parallel_loop3A_115 = arith.muli %parallel_loop3A_112, %parallel_loop3A_114 : vector<16xi32>
      %parallel_loop3A_116 = tpu.vector_load_idx %arg10[%parallel_loop3A_115] : memref<8208xf32, #tpu.memory_space<vmem>>[vector<16xi32>], vector<16xf32>,
      %parallel_loop3A_117 = tpu.vector_load_idx %arg11[%parallel_loop3A_115] : memref<8208xf32, #tpu.memory_space<vmem>>[vector<16xi32>], vector<16xf32>,
      %parallel_loop3A_118 = arith.constant 1 : i32
      %parallel_loop3A_119 = vector.broadcast %parallel_loop3A_118 : i32 to vector<16xi32>
      %parallel_loop3A_120 = arith.addi %parallel_loop3A_115, %parallel_loop3A_119 : vector<16xi32>
      %parallel_loop3A_121 = tpu.vector_load_idx %arg10[%parallel_loop3A_120] : memref<8208xf32, #tpu.memory_space<vmem>>[vector<16xi32>], vector<16xf32>,
      %parallel_loop3A_122 = arith.addf %parallel_loop3A_116, %parallel_loop3A_121 : vector<16xf32>
      %parallel_loop3A_123 = arith.constant 1 : i32
      %parallel_loop3A_124 = vector.broadcast %parallel_loop3A_123 : i32 to vector<16xi32>
      %parallel_loop3A_125 = arith.addi %parallel_loop3A_115, %parallel_loop3A_124 : vector<16xi32>
      %parallel_loop3A_126 = tpu.vector_load_idx %arg11[%parallel_loop3A_125] : memref<8208xf32, #tpu.memory_space<vmem>>[vector<16xi32>], vector<16xf32>,
      %parallel_loop3A_127 = arith.addf %parallel_loop3A_117, %parallel_loop3A_126 : vector<16xf32>
      %parallel_loop3A_128 = arith.constant 2 : i32
      %parallel_loop3A_129 = vector.broadcast %parallel_loop3A_128 : i32 to vector<16xi32>
      %parallel_loop3A_130 = arith.addi %parallel_loop3A_115, %parallel_loop3A_129 : vector<16xi32>
      %parallel_loop3A_131 = tpu.vector_load_idx %arg10[%parallel_loop3A_130] : memref<8208xf32, #tpu.memory_space<vmem>>[vector<16xi32>], vector<16xf32>,
      %parallel_loop3A_132 = arith.addf %parallel_loop3A_122, %parallel_loop3A_131 : vector<16xf32>
      %parallel_loop3A_133 = arith.constant 2 : i32
      %parallel_loop3A_134 = vector.broadcast %parallel_loop3A_133 : i32 to vector<16xi32>
      %parallel_loop3A_135 = arith.addi %parallel_loop3A_115, %parallel_loop3A_134 : vector<16xi32>
      %parallel_loop3A_136 = tpu.vector_load_idx %arg11[%parallel_loop3A_135] : memref<8208xf32, #tpu.memory_space<vmem>>[vector<16xi32>], vector<16xf32>,
      %parallel_loop3A_137 = arith.addf %parallel_loop3A_127, %parallel_loop3A_136 : vector<16xf32>
      %parallel_loop3A_138 = arith.constant 3 : i32
      %parallel_loop3A_139 = vector.broadcast %parallel_loop3A_138 : i32 to vector<16xi32>
      %parallel_loop3A_140 = arith.addi %parallel_loop3A_115, %parallel_loop3A_139 : vector<16xi32>
      %parallel_loop3A_141 = tpu.vector_load_idx %arg10[%parallel_loop3A_140] : memref<8208xf32, #tpu.memory_space<vmem>>[vector<16xi32>], vector<16xf32>,
      %parallel_loop3A_142 = arith.addf %parallel_loop3A_132, %parallel_loop3A_141 : vector<16xf32>
      %parallel_loop3A_143 = arith.constant 3 : i32
      %parallel_loop3A_144 = vector.broadcast %parallel_loop3A_143 : i32 to vector<16xi32>
      %parallel_loop3A_145 = arith.addi %parallel_loop3A_115, %parallel_loop3A_144 : vector<16xi32>
      %parallel_loop3A_146 = tpu.vector_load_idx %arg11[%parallel_loop3A_145] : memref<8208xf32, #tpu.memory_space<vmem>>[vector<16xi32>], vector<16xf32>,
      %parallel_loop3A_147 = arith.addf %parallel_loop3A_137, %parallel_loop3A_146 : vector<16xf32>
      %parallel_loop3A_148 = arith.constant 4 : i32
      %parallel_loop3A_149 = vector.broadcast %parallel_loop3A_148 : i32 to vector<16xi32>
      %parallel_loop3A_150 = arith.addi %parallel_loop3A_115, %parallel_loop3A_149 : vector<16xi32>
      %parallel_loop3A_151 = tpu.vector_load_idx %arg10[%parallel_loop3A_150] : memref<8208xf32, #tpu.memory_space<vmem>>[vector<16xi32>], vector<16xf32>,
      %parallel_loop3A_152 = arith.addf %parallel_loop3A_142, %parallel_loop3A_151 : vector<16xf32>
      %parallel_loop3A_153 = arith.constant 4 : i32
      %parallel_loop3A_154 = vector.broadcast %parallel_loop3A_153 : i32 to vector<16xi32>
      %parallel_loop3A_155 = arith.addi %parallel_loop3A_115, %parallel_loop3A_154 : vector<16xi32>
      %parallel_loop3A_156 = tpu.vector_load_idx %arg11[%parallel_loop3A_155] : memref<8208xf32, #tpu.memory_space<vmem>>[vector<16xi32>], vector<16xf32>,
      %parallel_loop3A_157 = arith.addf %parallel_loop3A_147, %parallel_loop3A_156 : vector<16xf32>
      %parallel_loop3A_158 = arith.constant 5 : i32
      %parallel_loop3A_159 = vector.broadcast %parallel_loop3A_158 : i32 to vector<16xi32>
      %parallel_loop3A_160 = arith.addi %parallel_loop3A_115, %parallel_loop3A_159 : vector<16xi32>
      %parallel_loop3A_161 = tpu.vector_load_idx %arg10[%parallel_loop3A_160] : memref<8208xf32, #tpu.memory_space<vmem>>[vector<16xi32>], vector<16xf32>,
      %parallel_loop3A_162 = arith.addf %parallel_loop3A_152, %parallel_loop3A_161 : vector<16xf32>
      %parallel_loop3A_163 = arith.constant 5 : i32
      %parallel_loop3A_164 = vector.broadcast %parallel_loop3A_163 : i32 to vector<16xi32>
      %parallel_loop3A_165 = arith.addi %parallel_loop3A_115, %parallel_loop3A_164 : vector<16xi32>
      %parallel_loop3A_166 = tpu.vector_load_idx %arg11[%parallel_loop3A_165] : memref<8208xf32, #tpu.memory_space<vmem>>[vector<16xi32>], vector<16xf32>,
      %parallel_loop3A_167 = arith.addf %parallel_loop3A_157, %parallel_loop3A_166 : vector<16xf32>
      %parallel_loop3A_168 = arith.constant 6 : i32
      %parallel_loop3A_169 = vector.broadcast %parallel_loop3A_168 : i32 to vector<16xi32>
      %parallel_loop3A_170 = arith.addi %parallel_loop3A_115, %parallel_loop3A_169 : vector<16xi32>
      %parallel_loop3A_171 = tpu.vector_load_idx %arg10[%parallel_loop3A_170] : memref<8208xf32, #tpu.memory_space<vmem>>[vector<16xi32>], vector<16xf32>,
      %parallel_loop3A_172 = arith.addf %parallel_loop3A_162, %parallel_loop3A_171 : vector<16xf32>
      %parallel_loop3A_173 = arith.constant 6 : i32
      %parallel_loop3A_174 = vector.broadcast %parallel_loop3A_173 : i32 to vector<16xi32>
      %parallel_loop3A_175 = arith.addi %parallel_loop3A_115, %parallel_loop3A_174 : vector<16xi32>
      %parallel_loop3A_176 = tpu.vector_load_idx %arg11[%parallel_loop3A_175] : memref<8208xf32, #tpu.memory_space<vmem>>[vector<16xi32>], vector<16xf32>,
      %parallel_loop3A_177 = arith.addf %parallel_loop3A_167, %parallel_loop3A_176 : vector<16xf32>
      %parallel_loop3A_178 = arith.constant 7 : i32
      %parallel_loop3A_179 = vector.broadcast %parallel_loop3A_178 : i32 to vector<16xi32>
      %parallel_loop3A_180 = arith.addi %parallel_loop3A_115, %parallel_loop3A_179 : vector<16xi32>
      %parallel_loop3A_181 = tpu.vector_load_idx %arg10[%parallel_loop3A_180] : memref<8208xf32, #tpu.memory_space<vmem>>[vector<16xi32>], vector<16xf32>,
      %parallel_loop3A_182 = arith.addf %parallel_loop3A_172, %parallel_loop3A_181 : vector<16xf32>
      %parallel_loop3A_183 = arith.constant 7 : i32
      %parallel_loop3A_184 = vector.broadcast %parallel_loop3A_183 : i32 to vector<16xi32>
      %parallel_loop3A_185 = arith.addi %parallel_loop3A_115, %parallel_loop3A_184 : vector<16xi32>
      %parallel_loop3A_186 = tpu.vector_load_idx %arg11[%parallel_loop3A_185] : memref<8208xf32, #tpu.memory_space<vmem>>[vector<16xi32>], vector<16xf32>,
      %parallel_loop3A_187 = arith.addf %parallel_loop3A_177, %parallel_loop3A_186 : vector<16xf32>
      %parallel_loop3A_188 = arith.constant 8 : i32
      %parallel_loop3A_189 = vector.broadcast %parallel_loop3A_188 : i32 to vector<16xi32>
      %parallel_loop3A_190 = arith.addi %parallel_loop3A_115, %parallel_loop3A_189 : vector<16xi32>
      %parallel_loop3A_191 = tpu.vector_load_idx %arg10[%parallel_loop3A_190] : memref<8208xf32, #tpu.memory_space<vmem>>[vector<16xi32>], vector<16xf32>,
      %parallel_loop3A_192 = arith.addf %parallel_loop3A_182, %parallel_loop3A_191 : vector<16xf32>
      %parallel_loop3A_193 = arith.constant 8 : i32
      %parallel_loop3A_194 = vector.broadcast %parallel_loop3A_193 : i32 to vector<16xi32>
      %parallel_loop3A_195 = arith.addi %parallel_loop3A_115, %parallel_loop3A_194 : vector<16xi32>
      %parallel_loop3A_196 = tpu.vector_load_idx %arg11[%parallel_loop3A_195] : memref<8208xf32, #tpu.memory_space<vmem>>[vector<16xi32>], vector<16xf32>,
      %parallel_loop3A_197 = arith.addf %parallel_loop3A_187, %parallel_loop3A_196 : vector<16xf32>
      %parallel_loop3A_198 = arith.constant 9 : i32
      %parallel_loop3A_199 = vector.broadcast %parallel_loop3A_198 : i32 to vector<16xi32>
      %parallel_loop3A_200 = arith.addi %parallel_loop3A_115, %parallel_loop3A_199 : vector<16xi32>
      %parallel_loop3A_201 = tpu.vector_load_idx %arg10[%parallel_loop3A_200] : memref<8208xf32, #tpu.memory_space<vmem>>[vector<16xi32>], vector<16xf32>,
      %parallel_loop3A_202 = arith.addf %parallel_loop3A_192, %parallel_loop3A_201 : vector<16xf32>
      %parallel_loop3A_203 = arith.constant 9 : i32
      %parallel_loop3A_204 = vector.broadcast %parallel_loop3A_203 : i32 to vector<16xi32>
      %parallel_loop3A_205 = arith.addi %parallel_loop3A_115, %parallel_loop3A_204 : vector<16xi32>
      %parallel_loop3A_206 = tpu.vector_load_idx %arg11[%parallel_loop3A_205] : memref<8208xf32, #tpu.memory_space<vmem>>[vector<16xi32>], vector<16xf32>,
      %parallel_loop3A_207 = arith.addf %parallel_loop3A_197, %parallel_loop3A_206 : vector<16xf32>
      %parallel_loop3A_208 = arith.constant 10 : i32
      %parallel_loop3A_209 = vector.broadcast %parallel_loop3A_208 : i32 to vector<16xi32>
      %parallel_loop3A_210 = arith.addi %parallel_loop3A_115, %parallel_loop3A_209 : vector<16xi32>
      %parallel_loop3A_211 = tpu.vector_load_idx %arg10[%parallel_loop3A_210] : memref<8208xf32, #tpu.memory_space<vmem>>[vector<16xi32>], vector<16xf32>,
      %parallel_loop3A_212 = arith.addf %parallel_loop3A_202, %parallel_loop3A_211 : vector<16xf32>
      %parallel_loop3A_213 = arith.constant 10 : i32
      %parallel_loop3A_214 = vector.broadcast %parallel_loop3A_213 : i32 to vector<16xi32>
      %parallel_loop3A_215 = arith.addi %parallel_loop3A_115, %parallel_loop3A_214 : vector<16xi32>
      %parallel_loop3A_216 = tpu.vector_load_idx %arg11[%parallel_loop3A_215] : memref<8208xf32, #tpu.memory_space<vmem>>[vector<16xi32>], vector<16xf32>,
      %parallel_loop3A_217 = arith.addf %parallel_loop3A_207, %parallel_loop3A_216 : vector<16xf32>
      %parallel_loop3A_218 = arith.constant 11 : i32
      %parallel_loop3A_219 = vector.broadcast %parallel_loop3A_218 : i32 to vector<16xi32>
      %parallel_loop3A_220 = arith.addi %parallel_loop3A_115, %parallel_loop3A_219 : vector<16xi32>
      %parallel_loop3A_221 = tpu.vector_load_idx %arg10[%parallel_loop3A_220] : memref<8208xf32, #tpu.memory_space<vmem>>[vector<16xi32>], vector<16xf32>,
      %parallel_loop3A_222 = arith.addf %parallel_loop3A_212, %parallel_loop3A_221 : vector<16xf32>
      %parallel_loop3A_223 = arith.constant 11 : i32
      %parallel_loop3A_224 = vector.broadcast %parallel_loop3A_223 : i32 to vector<16xi32>
      %parallel_loop3A_225 = arith.addi %parallel_loop3A_115, %parallel_loop3A_224 : vector<16xi32>
      %parallel_loop3A_226 = tpu.vector_load_idx %arg11[%parallel_loop3A_225] : memref<8208xf32, #tpu.memory_space<vmem>>[vector<16xi32>], vector<16xf32>,
      %parallel_loop3A_227 = arith.addf %parallel_loop3A_217, %parallel_loop3A_226 : vector<16xf32>
      %parallel_loop3A_228 = arith.constant 12 : i32
      %parallel_loop3A_229 = vector.broadcast %parallel_loop3A_228 : i32 to vector<16xi32>
      %parallel_loop3A_230 = arith.addi %parallel_loop3A_115, %parallel_loop3A_229 : vector<16xi32>
      %parallel_loop3A_231 = tpu.vector_load_idx %arg10[%parallel_loop3A_230] : memref<8208xf32, #tpu.memory_space<vmem>>[vector<16xi32>], vector<16xf32>,
      %parallel_loop3A_232 = arith.addf %parallel_loop3A_222, %parallel_loop3A_231 : vector<16xf32>
      %parallel_loop3A_233 = arith.constant 12 : i32
      %parallel_loop3A_234 = vector.broadcast %parallel_loop3A_233 : i32 to vector<16xi32>
      %parallel_loop3A_235 = arith.addi %parallel_loop3A_115, %parallel_loop3A_234 : vector<16xi32>
      %parallel_loop3A_236 = tpu.vector_load_idx %arg11[%parallel_loop3A_235] : memref<8208xf32, #tpu.memory_space<vmem>>[vector<16xi32>], vector<16xf32>,
      %parallel_loop3A_237 = arith.addf %parallel_loop3A_227, %parallel_loop3A_236 : vector<16xf32>
      %parallel_loop3A_238 = arith.constant 13 : i32
      %parallel_loop3A_239 = vector.broadcast %parallel_loop3A_238 : i32 to vector<16xi32>
      %parallel_loop3A_240 = arith.addi %parallel_loop3A_115, %parallel_loop3A_239 : vector<16xi32>
      %parallel_loop3A_241 = tpu.vector_load_idx %arg10[%parallel_loop3A_240] : memref<8208xf32, #tpu.memory_space<vmem>>[vector<16xi32>], vector<16xf32>,
      %parallel_loop3A_242 = arith.addf %parallel_loop3A_232, %parallel_loop3A_241 : vector<16xf32>
      %parallel_loop3A_243 = arith.constant 13 : i32
      %parallel_loop3A_244 = vector.broadcast %parallel_loop3A_243 : i32 to vector<16xi32>
      %parallel_loop3A_245 = arith.addi %parallel_loop3A_115, %parallel_loop3A_244 : vector<16xi32>
      %parallel_loop3A_246 = tpu.vector_load_idx %arg11[%parallel_loop3A_245] : memref<8208xf32, #tpu.memory_space<vmem>>[vector<16xi32>], vector<16xf32>,
      %parallel_loop3A_247 = arith.addf %parallel_loop3A_237, %parallel_loop3A_246 : vector<16xf32>
      %parallel_loop3A_248 = arith.constant 14 : i32
      %parallel_loop3A_249 = vector.broadcast %parallel_loop3A_248 : i32 to vector<16xi32>
      %parallel_loop3A_250 = arith.addi %parallel_loop3A_115, %parallel_loop3A_249 : vector<16xi32>
      %parallel_loop3A_251 = tpu.vector_load_idx %arg10[%parallel_loop3A_250] : memref<8208xf32, #tpu.memory_space<vmem>>[vector<16xi32>], vector<16xf32>,
      %parallel_loop3A_252 = arith.addf %parallel_loop3A_242, %parallel_loop3A_251 : vector<16xf32>
      %parallel_loop3A_253 = arith.constant 14 : i32
      %parallel_loop3A_254 = vector.broadcast %parallel_loop3A_253 : i32 to vector<16xi32>
      %parallel_loop3A_255 = arith.addi %parallel_loop3A_115, %parallel_loop3A_254 : vector<16xi32>
      %parallel_loop3A_256 = tpu.vector_load_idx %arg11[%parallel_loop3A_255] : memref<8208xf32, #tpu.memory_space<vmem>>[vector<16xi32>], vector<16xf32>,
      %parallel_loop3A_257 = arith.addf %parallel_loop3A_247, %parallel_loop3A_256 : vector<16xf32>
      %parallel_loop3A_258 = arith.constant 15 : i32
      %parallel_loop3A_259 = vector.broadcast %parallel_loop3A_258 : i32 to vector<16xi32>
      %parallel_loop3A_260 = arith.addi %parallel_loop3A_115, %parallel_loop3A_259 : vector<16xi32>
      %parallel_loop3A_261 = tpu.vector_load_idx %arg10[%parallel_loop3A_260] : memref<8208xf32, #tpu.memory_space<vmem>>[vector<16xi32>], vector<16xf32>,
      %parallel_loop3A_262 = arith.addf %parallel_loop3A_252, %parallel_loop3A_261 : vector<16xf32>
      %parallel_loop3A_263 = arith.constant 15 : i32
      %parallel_loop3A_264 = vector.broadcast %parallel_loop3A_263 : i32 to vector<16xi32>
      %parallel_loop3A_265 = arith.addi %parallel_loop3A_115, %parallel_loop3A_264 : vector<16xi32>
      %parallel_loop3A_266 = tpu.vector_load_idx %arg11[%parallel_loop3A_265] : memref<8208xf32, #tpu.memory_space<vmem>>[vector<16xi32>], vector<16xf32>,
      %parallel_loop3A_267 = arith.addf %parallel_loop3A_257, %parallel_loop3A_266 : vector<16xf32>
      %parallel_loop3A_268 = arith.constant 16 : i32
      %parallel_loop3A_269 = arith.muli %parallel_loop3A_105, %parallel_loop3A_268 : i32
      %parallel_loop3A_270 = arith.index_cast %parallel_loop3A_269 : i32 to index
      %parallel_loop3A_271 = tpu.vector_load %arg12[%parallel_loop3A_270] {strides = array<i32>} : memref<512xf32, #tpu.memory_space<vmem>>, vector<16xf32>,
      tpu.vector_store %arg12[%parallel_loop3A_270], %parallel_loop3A_262 {strides = array<i32>} : memref<512xf32, #tpu.memory_space<vmem>>, vector<16xf32>,
      %parallel_loop3A_272 = arith.constant 16 : i32
      %parallel_loop3A_273 = arith.muli %parallel_loop3A_105, %parallel_loop3A_272 : i32
      %parallel_loop3A_274 = arith.index_cast %parallel_loop3A_273 : i32 to index
      %parallel_loop3A_275 = tpu.vector_load %arg13[%parallel_loop3A_274] {strides = array<i32>} : memref<512xf32, #tpu.memory_space<vmem>>, vector<16xf32>,
      tpu.vector_store %arg13[%parallel_loop3A_274], %parallel_loop3A_267 {strides = array<i32>} : memref<512xf32, #tpu.memory_space<vmem>>, vector<16xf32>,
    } {sc.loop_unroll_factor = 2 : i64, sc.parallel_access}
    %mul3A_101 = arith.constant 512 : i32
    %mul3A_102 = arith.muli %add3A, %mul3A_101 : i32
    "tpu.region"() ({
      %run_scoped3A = tpu.sem_alloc : memref<!tpu.dma_semaphore, #tpu.memory_space<semaphore_mem>>
      %dma_start3A_105 = tpu.memref_slice %arg5[%mul3A_102] : memref<16384xf32, #tpu.memory_space<hbm>> -> memref<512xf32, #tpu.memory_space<hbm>>
      %dma_start3A_106 = tpu.memref_slice %arg5[%mul3A_102] : memref<16384xf32, #tpu.memory_space<hbm>> -> memref<512xf32, #tpu.memory_space<hbm>>
      tpu.enqueue_dma source(%arg12 : memref<512xf32, #tpu.memory_space<vmem>>) target(%dma_start3A_106 : memref<512xf32, #tpu.memory_space<hbm>>) target_semaphore(%run_scoped3A : memref<!tpu.dma_semaphore, #tpu.memory_space<semaphore_mem>>)
      %dma_wait3A_107 = tpu.memref_slice %arg5[%mul3A_102] : memref<16384xf32, #tpu.memory_space<hbm>> -> memref<512xf32, #tpu.memory_space<hbm>>
      %dma_wait3A_108 = tpu.memref_slice %arg5[%mul3A_102] : memref<16384xf32, #tpu.memory_space<hbm>> -> memref<512xf32, #tpu.memory_space<hbm>>
      tpu.wait_dma2 semaphore(%run_scoped3A : memref<!tpu.dma_semaphore, #tpu.memory_space<semaphore_mem>>) src(%arg12 : memref<512xf32, #tpu.memory_space<vmem>>) dst(%dma_wait3A_108 : memref<512xf32, #tpu.memory_space<hbm>>)
      tpu.yield
    }) : () -> ()
    %mul3A_103 = arith.constant 512 : i32
    %mul3A_104 = arith.muli %add3A, %mul3A_103 : i32
    "tpu.region"() ({
      %run_scoped3A = tpu.sem_alloc : memref<!tpu.dma_semaphore, #tpu.memory_space<semaphore_mem>>
      %dma_start3A_105 = tpu.memref_slice %arg6[%mul3A_104] : memref<16384xf32, #tpu.memory_space<hbm>> -> memref<512xf32, #tpu.memory_space<hbm>>
      %dma_start3A_106 = tpu.memref_slice %arg6[%mul3A_104] : memref<16384xf32, #tpu.memory_space<hbm>> -> memref<512xf32, #tpu.memory_space<hbm>>
      tpu.enqueue_dma source(%arg13 : memref<512xf32, #tpu.memory_space<vmem>>) target(%dma_start3A_106 : memref<512xf32, #tpu.memory_space<hbm>>) target_semaphore(%run_scoped3A : memref<!tpu.dma_semaphore, #tpu.memory_space<semaphore_mem>>)
      %dma_wait3A_107 = tpu.memref_slice %arg6[%mul3A_104] : memref<16384xf32, #tpu.memory_space<hbm>> -> memref<512xf32, #tpu.memory_space<hbm>>
      %dma_wait3A_108 = tpu.memref_slice %arg6[%mul3A_104] : memref<16384xf32, #tpu.memory_space<hbm>> -> memref<512xf32, #tpu.memory_space<hbm>>
      tpu.wait_dma2 semaphore(%run_scoped3A : memref<!tpu.dma_semaphore, #tpu.memory_space<semaphore_mem>>) src(%arg13 : memref<512xf32, #tpu.memory_space<vmem>>) dst(%dma_wait3A_108 : memref<512xf32, #tpu.memory_space<hbm>>)
      tpu.yield
    }) : () -> ()
    return
  }
}

module attributes {stable_mosaic.version = 14 : i64} {
  func.func @_tc_loss_body(%arg0: memref<32x512xf32, #tpu.memory_space<vmem>>, %arg1: memref<32x512xf32, #tpu.memory_space<vmem>>, %arg2: memref<1x1xf32, #tpu.memory_space<vmem>>) attributes {dimension_semantics = [], scalar_prefetch = 0 : i64, scratch_operands = 0 : i64, tpu.core_type = #tpu.core_type<tc>} {
    %get3A = arith.constant 0 : index
    %get3A_0 = arith.constant 0 : index
    %get3A_1 = vector.load %arg0[%get3A, %get3A_0] : memref<32x512xf32, #tpu.memory_space<vmem>>, vector<32x512xf32>
    %reduce_sum3A = arith.constant dense<0.000000e+00> : vector<512xf32>
    %reduce_sum3A_2 = vector.multi_reduction <add>, %get3A_1, %reduce_sum3A [0] : vector<32x512xf32> to vector<512xf32>
    %get3A_3 = arith.constant 0 : index
    %get3A_4 = arith.constant 0 : index
    %get3A_5 = vector.load %arg1[%get3A_3, %get3A_4] : memref<32x512xf32, #tpu.memory_space<vmem>>, vector<32x512xf32>
    %reduce_sum3A_6 = arith.constant dense<0.000000e+00> : vector<512xf32>
    %reduce_sum3A_7 = vector.multi_reduction <add>, %get3A_5, %reduce_sum3A_6 [0] : vector<32x512xf32> to vector<512xf32>
    %broadcast_in_dim3A = arith.constant 0.000000e+00 : f32
    %broadcast_in_dim3A_8 = vector.broadcast %broadcast_in_dim3A : f32 to vector<1xf32>
    %slice3A = vector.extract_strided_slice %reduce_sum3A_2 {offsets = [0], sizes = [511], strides = [1]} : vector<512xf32> to vector<511xf32>
    %concatenate3A = tpu.concatenate %broadcast_in_dim3A_8, %slice3A in 0 : vector<1xf32>, vector<511xf32> -> vector<512xf32>
    %add3A = arith.addf %reduce_sum3A_2, %concatenate3A : vector<512xf32>
    %broadcast_in_dim3A_9 = arith.constant 0.000000e+00 : f32
    %broadcast_in_dim3A_10 = vector.broadcast %broadcast_in_dim3A_9 : f32 to vector<2xf32>
    %slice3A_11 = vector.extract_strided_slice %add3A {offsets = [0], sizes = [510], strides = [1]} : vector<512xf32> to vector<510xf32>
    %concatenate3A_12 = tpu.concatenate %broadcast_in_dim3A_10, %slice3A_11 in 0 : vector<2xf32>, vector<510xf32> -> vector<512xf32>
    %add3A_13 = arith.addf %add3A, %concatenate3A_12 : vector<512xf32>
    %broadcast_in_dim3A_14 = arith.constant 0.000000e+00 : f32
    %broadcast_in_dim3A_15 = vector.broadcast %broadcast_in_dim3A_14 : f32 to vector<4xf32>
    %slice3A_16 = vector.extract_strided_slice %add3A_13 {offsets = [0], sizes = [508], strides = [1]} : vector<512xf32> to vector<508xf32>
    %concatenate3A_17 = tpu.concatenate %broadcast_in_dim3A_15, %slice3A_16 in 0 : vector<4xf32>, vector<508xf32> -> vector<512xf32>
    %add3A_18 = arith.addf %add3A_13, %concatenate3A_17 : vector<512xf32>
    %broadcast_in_dim3A_19 = arith.constant 0.000000e+00 : f32
    %broadcast_in_dim3A_20 = vector.broadcast %broadcast_in_dim3A_19 : f32 to vector<8xf32>
    %slice3A_21 = vector.extract_strided_slice %add3A_18 {offsets = [0], sizes = [504], strides = [1]} : vector<512xf32> to vector<504xf32>
    %concatenate3A_22 = tpu.concatenate %broadcast_in_dim3A_20, %slice3A_21 in 0 : vector<8xf32>, vector<504xf32> -> vector<512xf32>
    %add3A_23 = arith.addf %add3A_18, %concatenate3A_22 : vector<512xf32>
    %broadcast_in_dim3A_24 = arith.constant 0.000000e+00 : f32
    %broadcast_in_dim3A_25 = vector.broadcast %broadcast_in_dim3A_24 : f32 to vector<16xf32>
    %slice3A_26 = vector.extract_strided_slice %add3A_23 {offsets = [0], sizes = [496], strides = [1]} : vector<512xf32> to vector<496xf32>
    %concatenate3A_27 = tpu.concatenate %broadcast_in_dim3A_25, %slice3A_26 in 0 : vector<16xf32>, vector<496xf32> -> vector<512xf32>
    %add3A_28 = arith.addf %add3A_23, %concatenate3A_27 : vector<512xf32>
    %broadcast_in_dim3A_29 = arith.constant 0.000000e+00 : f32
    %broadcast_in_dim3A_30 = vector.broadcast %broadcast_in_dim3A_29 : f32 to vector<32xf32>
    %slice3A_31 = vector.extract_strided_slice %add3A_28 {offsets = [0], sizes = [480], strides = [1]} : vector<512xf32> to vector<480xf32>
    %concatenate3A_32 = tpu.concatenate %broadcast_in_dim3A_30, %slice3A_31 in 0 : vector<32xf32>, vector<480xf32> -> vector<512xf32>
    %add3A_33 = arith.addf %add3A_28, %concatenate3A_32 : vector<512xf32>
    %broadcast_in_dim3A_34 = arith.constant 0.000000e+00 : f32
    %broadcast_in_dim3A_35 = vector.broadcast %broadcast_in_dim3A_34 : f32 to vector<64xf32>
    %slice3A_36 = vector.extract_strided_slice %add3A_33 {offsets = [0], sizes = [448], strides = [1]} : vector<512xf32> to vector<448xf32>
    %concatenate3A_37 = tpu.concatenate %broadcast_in_dim3A_35, %slice3A_36 in 0 : vector<64xf32>, vector<448xf32> -> vector<512xf32>
    %add3A_38 = arith.addf %add3A_33, %concatenate3A_37 : vector<512xf32>
    %broadcast_in_dim3A_39 = arith.constant 0.000000e+00 : f32
    %broadcast_in_dim3A_40 = vector.broadcast %broadcast_in_dim3A_39 : f32 to vector<128xf32>
    %slice3A_41 = vector.extract_strided_slice %add3A_38 {offsets = [0], sizes = [384], strides = [1]} : vector<512xf32> to vector<384xf32>
    %concatenate3A_42 = tpu.concatenate %broadcast_in_dim3A_40, %slice3A_41 in 0 : vector<128xf32>, vector<384xf32> -> vector<512xf32>
    %add3A_43 = arith.addf %add3A_38, %concatenate3A_42 : vector<512xf32>
    %broadcast_in_dim3A_44 = arith.constant 0.000000e+00 : f32
    %broadcast_in_dim3A_45 = vector.broadcast %broadcast_in_dim3A_44 : f32 to vector<256xf32>
    %slice3A_46 = vector.extract_strided_slice %add3A_43 {offsets = [0], sizes = [256], strides = [1]} : vector<512xf32> to vector<256xf32>
    %concatenate3A_47 = tpu.concatenate %broadcast_in_dim3A_45, %slice3A_46 in 0 : vector<256xf32>, vector<256xf32> -> vector<512xf32>
    %add3A_48 = arith.addf %add3A_43, %concatenate3A_47 : vector<512xf32>
    %broadcast_in_dim3A_49 = arith.constant 0.000000e+00 : f32
    %broadcast_in_dim3A_50 = vector.broadcast %broadcast_in_dim3A_49 : f32 to vector<1xf32>
    %slice3A_51 = vector.extract_strided_slice %reduce_sum3A_7 {offsets = [0], sizes = [511], strides = [1]} : vector<512xf32> to vector<511xf32>
    %concatenate3A_52 = tpu.concatenate %broadcast_in_dim3A_50, %slice3A_51 in 0 : vector<1xf32>, vector<511xf32> -> vector<512xf32>
    %add3A_53 = arith.addf %reduce_sum3A_7, %concatenate3A_52 : vector<512xf32>
    %broadcast_in_dim3A_54 = arith.constant 0.000000e+00 : f32
    %broadcast_in_dim3A_55 = vector.broadcast %broadcast_in_dim3A_54 : f32 to vector<2xf32>
    %slice3A_56 = vector.extract_strided_slice %add3A_53 {offsets = [0], sizes = [510], strides = [1]} : vector<512xf32> to vector<510xf32>
    %concatenate3A_57 = tpu.concatenate %broadcast_in_dim3A_55, %slice3A_56 in 0 : vector<2xf32>, vector<510xf32> -> vector<512xf32>
    %add3A_58 = arith.addf %add3A_53, %concatenate3A_57 : vector<512xf32>
    %broadcast_in_dim3A_59 = arith.constant 0.000000e+00 : f32
    %broadcast_in_dim3A_60 = vector.broadcast %broadcast_in_dim3A_59 : f32 to vector<4xf32>
    %slice3A_61 = vector.extract_strided_slice %add3A_58 {offsets = [0], sizes = [508], strides = [1]} : vector<512xf32> to vector<508xf32>
    %concatenate3A_62 = tpu.concatenate %broadcast_in_dim3A_60, %slice3A_61 in 0 : vector<4xf32>, vector<508xf32> -> vector<512xf32>
    %add3A_63 = arith.addf %add3A_58, %concatenate3A_62 : vector<512xf32>
    %broadcast_in_dim3A_64 = arith.constant 0.000000e+00 : f32
    %broadcast_in_dim3A_65 = vector.broadcast %broadcast_in_dim3A_64 : f32 to vector<8xf32>
    %slice3A_66 = vector.extract_strided_slice %add3A_63 {offsets = [0], sizes = [504], strides = [1]} : vector<512xf32> to vector<504xf32>
    %concatenate3A_67 = tpu.concatenate %broadcast_in_dim3A_65, %slice3A_66 in 0 : vector<8xf32>, vector<504xf32> -> vector<512xf32>
    %add3A_68 = arith.addf %add3A_63, %concatenate3A_67 : vector<512xf32>
    %broadcast_in_dim3A_69 = arith.constant 0.000000e+00 : f32
    %broadcast_in_dim3A_70 = vector.broadcast %broadcast_in_dim3A_69 : f32 to vector<16xf32>
    %slice3A_71 = vector.extract_strided_slice %add3A_68 {offsets = [0], sizes = [496], strides = [1]} : vector<512xf32> to vector<496xf32>
    %concatenate3A_72 = tpu.concatenate %broadcast_in_dim3A_70, %slice3A_71 in 0 : vector<16xf32>, vector<496xf32> -> vector<512xf32>
    %add3A_73 = arith.addf %add3A_68, %concatenate3A_72 : vector<512xf32>
    %broadcast_in_dim3A_74 = arith.constant 0.000000e+00 : f32
    %broadcast_in_dim3A_75 = vector.broadcast %broadcast_in_dim3A_74 : f32 to vector<32xf32>
    %slice3A_76 = vector.extract_strided_slice %add3A_73 {offsets = [0], sizes = [480], strides = [1]} : vector<512xf32> to vector<480xf32>
    %concatenate3A_77 = tpu.concatenate %broadcast_in_dim3A_75, %slice3A_76 in 0 : vector<32xf32>, vector<480xf32> -> vector<512xf32>
    %add3A_78 = arith.addf %add3A_73, %concatenate3A_77 : vector<512xf32>
    %broadcast_in_dim3A_79 = arith.constant 0.000000e+00 : f32
    %broadcast_in_dim3A_80 = vector.broadcast %broadcast_in_dim3A_79 : f32 to vector<64xf32>
    %slice3A_81 = vector.extract_strided_slice %add3A_78 {offsets = [0], sizes = [448], strides = [1]} : vector<512xf32> to vector<448xf32>
    %concatenate3A_82 = tpu.concatenate %broadcast_in_dim3A_80, %slice3A_81 in 0 : vector<64xf32>, vector<448xf32> -> vector<512xf32>
    %add3A_83 = arith.addf %add3A_78, %concatenate3A_82 : vector<512xf32>
    %broadcast_in_dim3A_84 = arith.constant 0.000000e+00 : f32
    %broadcast_in_dim3A_85 = vector.broadcast %broadcast_in_dim3A_84 : f32 to vector<128xf32>
    %slice3A_86 = vector.extract_strided_slice %add3A_83 {offsets = [0], sizes = [384], strides = [1]} : vector<512xf32> to vector<384xf32>
    %concatenate3A_87 = tpu.concatenate %broadcast_in_dim3A_85, %slice3A_86 in 0 : vector<128xf32>, vector<384xf32> -> vector<512xf32>
    %add3A_88 = arith.addf %add3A_83, %concatenate3A_87 : vector<512xf32>
    %broadcast_in_dim3A_89 = arith.constant 0.000000e+00 : f32
    %broadcast_in_dim3A_90 = vector.broadcast %broadcast_in_dim3A_89 : f32 to vector<256xf32>
    %slice3A_91 = vector.extract_strided_slice %add3A_88 {offsets = [0], sizes = [256], strides = [1]} : vector<512xf32> to vector<256xf32>
    %concatenate3A_92 = tpu.concatenate %broadcast_in_dim3A_90, %slice3A_91 in 0 : vector<256xf32>, vector<256xf32> -> vector<512xf32>
    %add3A_93 = arith.addf %add3A_88, %concatenate3A_92 : vector<512xf32>
    %slice3A_94 = vector.extract_strided_slice %add3A_48 {offsets = [511], sizes = [1], strides = [1]} : vector<512xf32> to vector<1xf32>
    %squeeze3A = vector.extract %slice3A_94[0] : f32 from vector<1xf32>
    %slice3A_95 = vector.extract_strided_slice %add3A_93 {offsets = [511], sizes = [1], strides = [1]} : vector<512xf32> to vector<1xf32>
    %squeeze3A_96 = vector.extract %slice3A_95[0] : f32 from vector<1xf32>
    %div3A = vector.broadcast %squeeze3A : f32 to vector<512xf32>
    %div3A_97 = arith.divf %add3A_48, %div3A : vector<512xf32>
    %div3A_98 = vector.broadcast %squeeze3A_96 : f32 to vector<512xf32>
    %div3A_99 = arith.divf %add3A_93, %div3A_98 : vector<512xf32>
    %sub3A = arith.subf %div3A_97, %div3A_99 : vector<512xf32>
    %abs3A = math.absf %sub3A : vector<512xf32>
    %reduce_sum3A_100 = vector.shape_cast %abs3A : vector<512xf32> to vector<1x512xf32>
    %reduce_sum3A_101 = arith.constant dense<0.000000e+00> : vector<1xf32>
    %reduce_sum3A_102 = vector.multi_reduction <add>, %reduce_sum3A_100, %reduce_sum3A_101 [1] : vector<1x512xf32> to vector<1xf32>
    %reduce_sum3A_103 = vector.shape_cast %reduce_sum3A_102 : vector<1xf32> to vector<1x1xf32>
    %reduce_sum3A_104 = vector.extract %reduce_sum3A_103[0, 0] : f32 from vector<1x1xf32>
    %div3A_105 = arith.constant 5.120000e+02 : f32
    %div3A_106 = arith.divf %reduce_sum3A_104, %div3A_105 : f32
    %broadcast_in_dim3A_107 = vector.broadcast %div3A_106 : f32 to vector<1x1xf32>
    %swap3A = arith.constant 0 : index
    %swap3A_108 = arith.constant 0 : index
    %swap3A_109 = vector.load %arg2[%swap3A, %swap3A_108] : memref<1x1xf32, #tpu.memory_space<vmem>>, vector<1x1xf32>
    tpu.vector_store %arg2[%swap3A, %swap3A_108], %broadcast_in_dim3A_107 {strides = array<i32>} : memref<1x1xf32, #tpu.memory_space<vmem>>, vector<1x1xf32>,
    return
  }
}

</mosaic_0001>

<sc_bundles>
// kernel: kernel.4.cloned.1.call-start
scs
__scs_entry_jumppad:
0x0: {  	(pc) =	sbr.rel $0x88, $3  }
0x1: {  	(tag) =	ssettag $0x0;
	lr =	simm.s32 $0x1  }
0x2: {  	[smem:$0x3F9E] =	sst lr;
	_ =	strace $0xD0000000  }
0x3: {  	_ = 	snop  }
0x4: {  	_ = 	snop  }
0x5: {  	_ = 	snop  }
0x6: {  	_ = 	snop  }
0x7: {  	_ = 	snop  }
__scs_overlays_trampoline_lowered:
0x8: {  	[smem:$0x3FAD] =	sst s0  }
0x9: {  	[smem:$0x3FAE] =	sst s1  }
0xa: {  	[smem:$0x3FAF] =	sst s2  }
0xb: {  	[smem:$0x3FB0] =	sst s3  }
0xc: {  	[smem:$0x3FB1] =	sst s4  }
0xd: {  	[smem:$0x3FB2] =	sst s5  }
0xe: {  	[smem:$0x3FB3] =	sst s6  }
0xf: {  	[smem:$0x3FB4] =	sst s7  }
0x10: {  	[smem:$0x3FB5] =	sst s8  }
0x11: {  	[smem:$0x3FB6] =	sst s9;
	s0 =	simm.s32 @!p0 $0x0  }
0x12: {  	s1 =	sld [smem:$0x3F9C];
	s0 =	simm.s32 @p0 $0x1  }
0x13: {  	[smem:$0x3FB7] =	sst s0;
	s0 =	simm.s32 @!p1 $0x0  }
0x14: {  	s2 =	sld [smem:$0x3F9B];
	s0 =	simm.s32 @p1 $0x1  }
0x15: {  	[smem:$0x3FB8] =	sst s0;
	s0 =	simm.s32 @!p2 $0x0  }
0x16: {  	s3 =	sld [smem:$0x3FDB];
	s0 =	simm.s32 @p2 $0x1  }
0x17: {  	s4 =	simm.s32 $0x1BF5;
	[smem:$0x3FBA] =	sst s0  }
0x18: {  	s0 =	sld [smem:$0x3F9D];
	_ =	swait.ge [sflag:s4], $0x0  }
0x19: {  	s7 =	sld [smem:$0x3F9E]  }
0x1a: {  	s8 =	sadd.s32 $0xFFFFE003, lr  }
0x1b: {  	s9 =	sadd.s32 $0xFFFFFEF7, lr;
	s5 =	simm.s32 $0xFFFFFFFF;
	p2 =	slt.u32 s8, $0xFFFFF086  }
0x1c: {  	p1 =	slt.u32 s9, $0xF7A;
	s5 =	simm.s32 @!p2 $0x0  }
0x1d: {  	s5 =	simm.s32 @p1 $0x1;
	p0 =	seq.s32 s7, s2  }
0x1e: {  	s7 =	smul.u32 @!p0 $0xF7A, s2;
	p2 =	seq.s32 @!p0 s5, $0x0  }
0x1f: {  	s9 =	smul.u32 $0xF7A, s1;
	s8 =	simm.s32 @!p0 $0x1BF5;
	p2 =	por !p2, p0  }
0x20: {  	[sflag:s8] =	ssyncset.s32 @!p0 $0xFFFFF086;
	s6 =	sadd.s32 @!p0 s3, s7;
	s7 =	simm.s32 @!p0 $0x108  }
0x21: {  	s3 =	sadd.s32 s3, s9;
	s6 =	sadd.s32 @!p0 $0x88, s6;
	s7 =	simm.s32 @p2 $0x1082  }
0x22: {  	[simem:s7], [sflag:s8] =	dma.local @!p0 [hbm:s6], $0xF7A  }
0x23: {  	s9 =	sor.u32 $0xD0000000, s2;
	s6 =	simm.s32 $0x108;
	_ =	swait.ge @!p0 [sflag:s8], $0x0  }
0x24: {  	s3 =	sadd.s32 $0x88, s3;
	s6 =	simm.s32 @!p1 $0x1082;
	[sflag:s4] =	ssyncset.s32 $0xFFFFF086  }
0x25: {  	[simem:s6], [sflag:s4] =	dma.local [hbm:s3], $0xF7A  }
0x26: {  	[smem:$0x3F9E] =	sst s1;
	(tag) =	ssettag s2;
	_ =	strace s9  }
0x27: {  	s1 =	sld [smem:$0x3FAE]  }
0x28: {  	s2 =	sld [smem:$0x3FAF]  }
0x29: {  	s4 =	sld [smem:$0x3FB1]  }
0x2a: {  	p0 =	seq.s32 s5, $0x0;
	s5 =	sld [smem:$0x3FB2]  }
0x2b: {  	s6 =	sld [smem:$0x3FB3]  }
0x2c: {  	s7 =	sld [smem:$0x3FB4]  }
0x2d: {  	s3 =	simm.s32 $0x108;
	s8 =	sld [smem:$0x3FB5]  }
0x2e: {  	s3 =	simm.s32 @!p0 $0x1082;
	s9 =	sld [smem:$0x3FB6]  }
0x2f: {  	lr =	sadd.s32 s0, s3;
	s0 =	sld [smem:$0x3FAD]  }
0x30: {  	s3 =	sld [smem:$0x3FB0]  }
0x31: {  	[smem:$0x3FB9] =	sst s10  }
0x32: {  	s10 =	sld [smem:$0x3FB7];
	_ =	sdelay $0x3  }
0x33: {  	p0 =	seq.s32 s10, $0x1;
	s10 =	sld [smem:$0x3FB9];
	_ =	sdelay $0x3  }
0x34: {  	[smem:$0x3FB9] =	sst s10  }
0x35: {  	s10 =	sld [smem:$0x3FB8];
	_ =	sdelay $0x3  }
0x36: {  	p1 =	seq.s32 s10, $0x1;
	s10 =	sld [smem:$0x3FB9];
	_ =	sdelay $0x3  }
0x37: {  	[smem:$0x3FB9] =	sst s10  }
0x38: {  	s10 =	sld [smem:$0x3FBA]  }
0x39: {  	_ = 	snop;
	(pc) =	sbr.ind lr, $3  }
0x3a: {  	_ = 	snop  }
0x3b: {  	_ = 	snop  }
0x3c: {  	p2 =	seq.s32 s10, $0x1;
	s10 =	sld [smem:$0x3FB9]  }
0x3d: {  	_ =	shalt  }
0x3e: {  	_ =	shalt  }
0x3f: {  	_ =	shalt  }
0x40: {  	_ =	shalt  }
0x41: {  	_ =	shalt  }
0x42: {  	_ =	shalt  }
0x43: {  	_ =	shalt  }
0x44: {  	_ =	shalt  }
0x45: {  	_ =	shalt  }
0x46: {  	_ =	shalt  }
0x47: {  	_ =	shalt  }
0x48: {  	_ =	shalt  }
0x49: {  	_ =	shalt  }
0x4a: {  	_ =	shalt  }
0x4b: {  	_ =	shalt  }
0x4c: {  	_ =	shalt  }
0x4d: {  	_ =	shalt  }
0x4e: {  	_ =	shalt  }
0x4f: {  	_ =	shalt  }
0x50: {  	_ =	shalt  }
0x51: {  	_ =	shalt  }
0x52: {  	_ =	shalt  }
0x53: {  	_ =	shalt  }
0x54: {  	_ =	shalt  }
0x55: {  	_ =	shalt  }
0x56: {  	_ =	shalt  }
0x57: {  	_ =	shalt  }
0x58: {  	_ =	shalt  }
0x59: {  	_ =	shalt  }
0x5a: {  	_ =	shalt  }
0x5b: {  	_ =	shalt  }
0x5c: {  	_ =	shalt  }
0x5d: {  	_ =	shalt  }
0x5e: {  	_ =	shalt  }
0x5f: {  	_ =	shalt  }
0x60: {  	_ =	shalt  }
0x61: {  	_ =	shalt  }
0x62: {  	_ =	shalt  }
0x63: {  	_ =	shalt  }
0x64: {  	_ =	shalt  }
0x65: {  	_ =	shalt  }
0x66: {  	_ =	shalt  }
0x67: {  	_ =	shalt  }
0x68: {  	_ =	shalt  }
0x69: {  	_ =	shalt  }
0x6a: {  	_ =	shalt  }
0x6b: {  	_ =	shalt  }
0x6c: {  	_ =	shalt  }
0x6d: {  	_ =	shalt  }
0x6e: {  	_ =	shalt  }
0x6f: {  	_ =	shalt  }
0x70: {  	_ =	shalt  }
0x71: {  	_ =	shalt  }
0x72: {  	_ =	shalt  }
0x73: {  	_ =	shalt  }
0x74: {  	_ =	shalt  }
0x75: {  	_ =	shalt  }
0x76: {  	_ =	shalt  }
0x77: {  	_ =	shalt  }
0x78: {  	_ =	shalt  }
0x79: {  	_ =	shalt  }
0x7a: {  	_ =	shalt  }
0x7b: {  	_ =	shalt  }
0x7c: {  	_ =	shalt  }
0x7d: {  	_ =	shalt  }
0x7e: {  	_ =	shalt  }
0x7f: {  	_ =	shalt  }
0x80: {  	_ =	shalt  }
0x81: {  	_ =	shalt  }
0x82: {  	_ =	shalt  }
0x83: {  	_ =	shalt  }
0x84: {  	_ =	shalt  }
0x85: {  	_ =	shalt  }
0x86: {  	_ =	shalt  }
0x87: {  	_ =	shalt  }
.Lfunc_end0:
.L_simem_size_0:
called_computation_lowered:
.L_overlay_start_0:
0x88: {  	s2 =	sld [smem:$0x3FD9]  }
0x89: {  	s3 =	sld [smem:$0x3FFE];
	_ =	sdelay $0x1  }
0x8a: {  	s1 =	srdreg.scid  }
0x8b: {  	s0 =	sand.u32 $0x1, s1  }
0x8c: {  	s17 =	sshll.u32 s0, $0xA;
	s2 =	sadd.s32 s3, s2  }
0x8d: {  	s2 =	sadd.s32 s2, s17  }
0x8e: {  	[smem:$0x3FC5] =	sst s2  }
0x8f: {  	_ = 	snop  }
0x90: {  	s2 =	sld [smem:$0x3FC9]  }
0x91: {  	s18 =	sld [smem:$0x3FC8];
	(tm) =	ssettm $0x1  }
0x92: {  	s4 =	sld [smem:$0x3FFB];
	_ =	sdelay $0x3  }
0x93: {  	_ =	strace s4  }
0x94: {  	s4 =	sld [smem:$0x3FFC];
	_ =	sdelay $0x3  }
0x95: {  	_ =	strace s4  }
0x96: {  	s4 =	sld [smem:$0x3FFD];
	_ =	sdelay $0x3  }
0x97: {  	_ =	strace s4  }
0x98: {  	_ =	strace $0x8FFFFFFF  }
0x99: {  	s19 =	sld [smem:$0x3FDB];
	_ =	sdelay $0x1  }
0x9a: {  	s5 =	simm.s32 $_scs_section_size  }
0x9b: {  	s6 =	simm.s32 $_size__tile_overlayer_lowered;
	s7 =	simm.s32 $_tile_overlayer_lowered  }
0x9c: {  	s22 =	simm.s32 $0x1BFF;
	s21 =	sshll.u32 s7, $0x1;
	s4 =	sadd.s32 s5, s19  }
0x9d: {  	s8 =	simm.s32 $0x0;
	s20 =	sshll.u32 s6, $0x1;
	s6 =	sadd.s32 s21, s4  }
0x9e: {  	[timem:s8], [sflag:s22] =	dma.local [hbm:s6], s20  }
0x9f: {  	_ =	swait.ge [sflag:s22], s20  }
0xa0: {  	s5 =	ssub.s32 $0x0, s20;
	[sflag:s22] =	ssyncset.done $0x0  }
0xa1: {  	[sflag:s22] =	ssyncadd.s32 s5;
	_ =	sdelay $0x1  }
0xa2: {  	s23 =	simm.s32 $0x1B8B  }
0xa3: {  	_ =	swait.ge [sflag:s23], $0x1  }
0xa4: {  	[sflag:s23] =	ssyncset.done $0x0  }
0xa5: {  	s25 =	simm.s32 $0x1B8E;
	s24 =	sld [smem:$0x3FFE];
	[sflag:s23] =	ssyncadd.s32 $0xFFFFFFFF  }
0xa6: {  	s26 =	simm.s32 $execute0_lowered;
	[smem:$0x3FD2] =	sst s25  }
0xa7: {  	s6 =	sshll.u32 s26, $0x1;
	_ =	strace $0x80000046;
	[dreg:$0x1] =	wrdreg $0xFFFFFFFF  }
0xa8: {  	s28 =	simm.s32 $_size_execute0_lowered;
	s4 =	sadd.s32 s4, s6;
	[dreg:$0x0] =	wrdreg $0x0  }
0xa9: {  	s6 =	sshll.u32 s28, $0x1;
	[dreg:$0x2] =	wrdreg s4  }
0xaa: {  	[dreg:$0x3] =	wrdreg s6  }
0xab: {  	[dreg:$0x4] =	wrdreg $0xC0  }
0xac: {  	_ =	task [dreg:s8], $0x5FFFF  }
0xad: {  	[dreg:$0x1] =	wrdreg $0xFFFFFFFF  }
0xae: {  	[dreg:$0x0] =	wrdreg $0x60  }
0xaf: {  	[dreg:$0x2] =	wrdreg s2  }
0xb0: {  	[dreg:$0x3] =	wrdreg s18  }
0xb1: {  	[dreg:$0x4] =	wrdreg s24  }
0xb2: {  	[dreg:$0x5] =	wrdreg $0x9  }
0xb3: {  	_ =	task.clear_ibuf [dreg:s8], $0x6FFFF;
	_ =	strace $0x90000046  }
0xb4: {  	s29 =	simm.s32 $0x9;
	_ =	strace $0x80000048  }
0xb5: {  	_ =	swait.ge [sflag:s29], $0x1  }
0xb6: {  	[sflag:s29] =	ssyncadd.s32 $0xFFFFFFFF  }
0xb7: {  	_ =	strace $0x90000048  }
0xb8: {  	_ =	sfence  }
0xb9: {  	s30 =	sld [smem:$0x0];
	_ =	sdelay $0x2  }
0xba: {  	s31 =	sshll.u32 s1, $0xD;
	s1 =	sshrl.u32 s1, $0x2  }
0xbb: {  	s3 =	sand.u32 $0x4000, s31;
	s1 =	sadd.s32 s1, s30  }
0xbc: {  	s0 =	sor.u32 s3, s0;
	s1 =	sshll.u32 s1, $0x11  }
0xbd: {  	s0 =	sor.u32 s1, s0  }
0xbe: {  	s0 =	sadd.s32 $0x8F2B, s0  }
0xbf: {  	[sflag:s0] =	ssyncadd.remote.s32 $0x1  }
0xc0: {  	_ =	sfence.sel $0xFFFF  }
0xc1: {  	[dreg:$0x0] =	wrdreg $0xFFFFFFFF;
	(pc) =	sbr.abs _section_cstart, $3  }
0xc2: {  	[dreg:$0x1] =	wrdreg $0xFFFFFFFF  }
0xc3: {  	_ =	task.clear_ibuf [dreg:s8], $0x2FFFF;
	_ =	strace $0x9FFFFFFF  }
0xc4: {  	(tm) =	ssettm $0x7FFFFFFF  }
0xc5: {  	_ =	shalt  }
tec
execute0_lowered:
.L_overlay_start_1:
0x0: {  	(tag) =	ssettag $0x1  }
0x1: {  	s1 =	rddreg [dreg:$0x0]  }
0x2: {  	s2 =	rddreg [dreg:$0x1]  }
0x3: {  	s0 =	rddreg [dreg:$0x2];
	s4 =	simm.s32 $0x0;
	s3 =	srdreg.scid  }
0x4: {  	s24 =	stileid.u32;
	s14 =	simm.s32 $0x4000;
	s15 =	simm.s32 $0x8000  }
0x5: {  	s16 =	simm.s32 $0x1;
	s17 =	simm.s32 $0x2;
	s18 =	simm.s32 $0x3  }
0x6: {  	s19 =	simm.s32 $0x2000;
	s20 =	simm.s32 $0x6000;
	s21 =	simm.s32 $0xA000  }
0x7: {  	s22 =	simm.s32 $0xC000;
	s23 =	simm.s32 $0xE080;
	s29 =	simm.s32 $0x7  }
0x8: {  	s31 =	simm.s32 $0x0;
	[smem:$0x7FF] =	sst s4;
	s3 =	sand.u32 $0x1, s3  }
0x9: {  	s4 =	sshll.u32 s24, $0xA;
	s5 =	sadd.s32 $0x800, s0;
	s6 =	sshll.u32 s3, $0x9  }
0xa: {  	s24 =	simm.s32 $0x4;
	s3 =	ssub.s32 $0x2, s3;
	s4 =	sor.u32 s6, s4  }
0xb: {  	s7 =	sshrl.u32 s3, $0x1;
	s6 =	sshrl.u32 s4, $0x3;
	s4 =	sshll.u32 s4, $0x6  }
0xc: {  	_ =	strace $0x80000047;
	s3 =	ssub.s32 s3, s7;
	s25 =	sadd.s32 s1, s4  }
0xd: {  	s0 =	sadd.s32 s6, s0;
	s26 =	sadd.s32 s2, s4;
	[dreg:$0x4] =	wrdreg s25  }
0xe: {  	v0 =	vlaneseq.u32;
	s28 =	sadd.s32 s5, s4;
	s9 =	sor.u32 $0x800, s4;
	[dreg:$0x5] =	wrdreg s26  }
0xf: {  	v3 =	vmul.u32 $0x10, v0;
	s12 =	smax.u32 s3, $0x1;
	[dreg:$0x6] =	wrdreg s28;
	s30 =	sadd.s32 $0x100800, s0  }
0x10: {  	s13 =	sor.u32 $0x400, s4;
	s0 =	sadd.s32 $0x101000, s0;
	[dreg:$0x7] =	wrdreg s30  }
0x11: {  	v1 =	vimm.f32 $0.0e+00;
	v2 =	vimm.f32 $1.000000000e+00;
	v3 =	vadd.s32 $0x10, v3;
	s25 =	simm.s32 $0x5;
	s26 =	simm.s32 $0x6;
	[dreg:$0x8] =	wrdreg s0  }
.LBB2_1:
0x12: {  	s0 =	simm.s32 $0x40;
	s3 =	simm.s32 $0x0  }
.LBB2_2:
0x13: {  	p0 =	sne.s32 s0, $0x8000;
	[tilespmem:s3+$0xC000] =	vst v1;
	s4 =	smov.u32 s0;
	s0 =	sadd.s32 $0x40, s0  }
.Ltmp0:
0x14: {  	[tilespmem:s3+$0xE080] =	vst v1;
	(pc) =	sbr.rel @p0 .LBB2_2-.Ltmp0, $2  }
0x15: {  	_ =	sdelay $0x2  }
0x16: {  	s3 =	sshra.s32 s4, $0x2  }
0x17: {  	[tilespmem:s3+$0xC000] =	vst v1  }
0x18: {  	[tilespmem:s3+$0xE080] =	vst v1;
	s0 =	simm.s32 $0x0;
	s11 =	rddreg [dreg:$0x4]  }
0x19: {  	[tilespmem:s0], [sflag:$0x1] =	stream.linear.gather [hbm4b:s11+s0], $0x2000, $0x38;
	[tilespmem:$0x10500] =	vst v63  }
0x1a: {  	s28 =	rddreg [dreg:$0x5]  }
0x1b: {  	[tilespmem:s14], [sflag:$0x2] =	stream.linear.gather [hbm4b:s28+s0], $0x2000, $0x38;
	[tilespmem:$0x10500] =	vst v63  }
0x1c: {  	s30 =	rddreg [dreg:$0x6];
	s3 =	simm.s32 $0x0  }
0x1d: {  	[tilespmem:s15], [sflag:$0x3] =	stream.linear.gather [hbm4b:s30+s0], $0x2000, $0x38;
	[tilespmem:$0x10500] =	vst v63  }
.LBB2_4:
0x1e: {  	_ =	swait.ge [sflag:s16], $0x2000  }
0x1f: {  	[sflag:s16] =	ssyncset.done $0x0  }
0x20: {  	[sflag:s16] =	ssyncadd.s32 $0xFFFFE000  }
0x21: {  	_ =	swait.ge [sflag:s17], $0x2000  }
0x22: {  	[sflag:s17] =	ssyncset.done $0x0  }
0x23: {  	[sflag:s17] =	ssyncadd.s32 $0xFFFFE000  }
0x24: {  	s4 =	sshll.u32 s3, $0xB;
	_ =	swait.ge [sflag:s18], $0x2000  }
0x25: {  	s4 =	sadd.s32 s13, s4;
	[sflag:s18] =	ssyncset.done $0x0  }
0x26: {  	s6 =	sadd.s32 s1, s4;
	[sflag:s18] =	ssyncadd.s32 $0xFFFFE000  }
0x27: {  	[tilespmem:s19], [sflag:$0x4] =	stream.linear.gather [hbm4b:s6+s0], $0x2000, $0x38;
	[tilespmem:$0x10500] =	vst v63  }
0x28: {  	s8 =	sadd.s32 s2, s4  }
0x29: {  	[tilespmem:s20], [sflag:$0x5] =	stream.linear.gather [hbm4b:s8+s0], $0x2000, $0x38;
	[tilespmem:$0x10500] =	vst v63  }
0x2a: {  	s10 =	simm.s32 $0x0;
	s4 =	sadd.s32 s5, s4  }
0x2b: {  	[tilespmem:s21], [sflag:$0x6] =	stream.linear.gather [hbm4b:s4+s0], $0x2000, $0x38;
	[tilespmem:$0x10500] =	vst v63  }
0x2c: {  	s11 =	sand.u32 $0xC00, s0;
	s7 =	simm.s32 $0x0;
	s4 =	sand.u32 $0x1000, s10  }
0x2d: {  	s7 =	sand.u32 $0x380, s7;
	s4 =	sor.u32 s11, s4  }
0x2e: {  	s8 =	sand.u32 $0x40, s0;
	s4 =	sor.u32 s7, s4  }
0x2f: {  	s4 =	sor.u32 s8, s4  }
0x30: {  	v4 =	vld [tilespmem:s4+$0x8030]  }
0x31: {  	v5 =	vld [tilespmem:s4+$0x30];
	_ =	sdelay $0x4  }
0x32: {  	v8 =	vld [tilespmem:s4+$0x8010];
	v5 =	vmul.f32 v5, v4  }
0x33: {  	v9 =	vld [tilespmem:s4+$0x10]  }
0x34: {  	s10 =	simm.s32 $0x40;
	s11 =	simm.s32 $0x200;
	v5 =	vadd.f32 $1.552480460e-01, v5  }
0x35: {  	s28 =	simm.s32 $0x10;
	s6 =	sand.u32 $0x1000, s10;
	s7 =	sand.u32 $0xC00, s11;
	v6 =	vld [tilespmem:s4+$0x8000]  }
0x36: {  	s6 =	sor.u32 s7, s6;
	s8 =	sand.u32 $0x380, s28;
	s28 =	simm.s32 $0x40;
	v7 =	vld [tilespmem:s4+$0x0];
	v5 =	vmul.f32 $6.400080200e+00, v5  }
0x37: {  	v11 =	vld [tilespmem:s4+$0x8020];
	s28 =	sand.u32 $0x40, s28;
	s6 =	sor.u32 s8, s6  }
0x38: {  	v10 =	vld [tilespmem:s4+$0x20];
	s30 =	sor.u32 s28, s6;
	v9 =	vmul.f32 v9, v8;
	v5 =	vmin.f32 v5, $5.125000000e+02  }
0x39: {  	v12 =	vld [tilespmem:s30+$0x8030];
	v5 =	vtrunc.f32 v5  }
0x3a: {  	v13 =	vld [tilespmem:s30+$0x30];
	v9 =	vadd.f32 $1.552480460e-01, v9;
	v5 =	vcvt.f32.s32 v5;
	_ =	sdelay $0x1  }
0x3b: {  	v7 =	vmul.f32 v7, v6;
	v9 =	vmul.f32 $6.400080200e+00, v9;
	v5 =	vshll.u32 v5, $0x4  }
0x3c: {  	v5 =	vor.u32 v0, v5  }
0x3d: {  	v10 =	vmul.f32 v10, v11;
	v7 =	vadd.f32 $1.552480460e-01, v7;
	v9 =	vmin.f32 v9, $5.125000000e+02  }
0x3e: {  	v15 =	vld [tilespmem:s30+$0x0];
	v13 =	vmul.f32 v13, v12;
	v9 =	vtrunc.f32 v9  }
0x3f: {  	v17 =	vld [tilespmem:s30+$0x10];
	v7 =	vmul.f32 $6.400080200e+00, v7;
	v16 =	vcvt.f32.s32 v9  }
0x40: {  	v10 =	vadd.f32 $1.552480460e-01, v10;
	v9 =	vld [tilespmem:s30+$0x8010]  }
0x41: {  	v13 =	vadd.f32 $1.552480460e-01, v13;
	v7 =	vmin.f32 v7, $5.125000000e+02;
	v16 =	vshll.u32 v16, $0x4;
	[tilespmem:v5+s22+$0x0] =	vst.idx.add.f32.msk $0xffff, v2  }
0x42: {  	v16 =	vor.u32 v0, v16;
	v5 =	vmul.f32 $6.400080200e+00, v10;
	v10 =	vtrunc.f32 v7;
	v14 =	vld [tilespmem:s4+$0x4030]  }
0x43: {  	v7 =	vld [tilespmem:s30+$0x8000];
	v10 =	vcvt.f32.s32 v10  }
0x44: {  	v13 =	vmul.f32 $6.400080200e+00, v13;
	v5 =	vmin.f32 v5, $5.125000000e+02  }
0x45: {  	v19 =	vld [tilespmem:s30+$0x20];
	v5 =	vtrunc.f32 v5;
	v10 =	vshll.u32 v10, $0x4  }
0x46: {  	s10 =	simm.s32 $0x80;
	s11 =	simm.s32 $0x400;
	v13 =	vmin.f32 v13, $5.125000000e+02;
	v5 =	vcvt.f32.s32 v5;
	v18 =	vor.u32 v0, v10;
	v10 =	vld [tilespmem:s30+$0x8020]  }
0x47: {  	s7 =	sand.u32 $0xC00, s11;
	s6 =	sand.u32 $0x1000, s10;
	s28 =	simm.s32 $0x20;
	v13 =	vtrunc.f32 v13;
	[tilespmem:v16+s22+$0x0] =	vst.idx.add.f32.msk $0xffff, v2;
	v4 =	vmul.f32 v14, v4  }
0x48: {  	s6 =	sor.u32 s7, s6;
	s8 =	sand.u32 $0x380, s28;
	s28 =	simm.s32 $0x80;
	v5 =	vshll.u32 v5, $0x4;
	v14 =	vmul.f32 v15, v7;
	v15 =	vmul.f32 v17, v9;
	v17 =	vld [tilespmem:s4+$0x4010]  }
0x49: {  	s28 =	sand.u32 $0x40, s28;
	s6 =	sor.u32 s8, s6;
	v13 =	vcvt.f32.s32 v13;
	v5 =	vor.u32 v0, v5;
	v4 =	vadd.f32 $1.552480460e-01, v4  }
0x4a: {  	s28 =	sor.u32 s28, s6;
	v14 =	vadd.f32 $1.552480460e-01, v14  }
0x4b: {  	v20 =	vld [tilespmem:s28+$0x30];
	v13 =	vshll.u32 v13, $0x4;
	v16 =	vmul.f32 v19, v10;
	v4 =	vmul.f32 $6.400080200e+00, v4  }
0x4c: {  	v13 =	vor.u32 v0, v13;
	v19 =	vld [tilespmem:s28+$0x8030];
	v14 =	vmul.f32 $6.400080200e+00, v14  }
0x4d: {  	[tilespmem:v18+s22+$0x0] =	vst.idx.add.f32.msk $0xffff, v2;
	v16 =	vadd.f32 $1.552480460e-01, v16;
	v8 =	vmul.f32 v17, v8;
	v4 =	vmin.f32 v4, $5.125000000e+02  }
0x4e: {  	[tilespmem:v5+s22+$0x0] =	vst.idx.add.f32.msk $0xffff, v2;
	v5 =	vadd.f32 $1.552480460e-01, v15;
	v14 =	vmin.f32 v14, $5.125000000e+02;
	v4 =	vtrunc.f32 v4  }
0x4f: {  	v15 =	vld [tilespmem:s4+$0x4000];
	v16 =	vmul.f32 $6.400080200e+00, v16;
	v14 =	vtrunc.f32 v14  }
0x50: {  	v8 =	vadd.f32 $1.552480460e-01, v8;
	v5 =	vmul.f32 $6.400080200e+00, v5;
	v4 =	vcvt.f32.s32 v4  }
0x51: {  	v18 =	vld [tilespmem:s4+$0x4020];
	v14 =	vcvt.f32.s32 v14;
	v20 =	vmul.f32 v20, v19  }
0x52: {  	v16 =	vmin.f32 v16, $5.125000000e+02;
	v8 =	vmul.f32 $6.400080200e+00, v8;
	v5 =	vmin.f32 v5, $5.125000000e+02  }
0x53: {  	[tilespmem:v13+s22+$0x0] =	vst.idx.add.f32.msk $0xffff, v2;
	v4 =	vshll.u32 v4, $0x4;
	v16 =	vtrunc.f32 v16;
	v14 =	vshll.u32 v14, $0x4  }
0x54: {  	v20 =	vadd.f32 $1.552480460e-01, v20;
	v5 =	vtrunc.f32 v5;
	v6 =	vmul.f32 v15, v6;
	v15 =	vld [tilespmem:s30+$0x4030]  }
0x55: {  	v17 =	vld [tilespmem:s28+$0x0];
	v13 =	vor.u32 v0, v4;
	v16 =	vcvt.f32.s32 v16;
	v14 =	vor.u32 v0, v14  }
0x56: {  	v4 =	vld [tilespmem:s28+$0x8000];
	v8 =	vmin.f32 v8, $5.125000000e+02;
	v5 =	vcvt.f32.s32 v5;
	v11 =	vmul.f32 v18, v11  }
0x57: {  	v8 =	vtrunc.f32 v8;
	v20 =	vmul.f32 $6.400080200e+00, v20;
	v6 =	vadd.f32 $1.552480460e-01, v6  }
0x58: {  	v22 =	vld [tilespmem:s28+$0x10];
	v16 =	vshll.u32 v16, $0x4;
	v18 =	vshll.u32 v5, $0x4;
	v11 =	vadd.f32 $1.552480460e-01, v11  }
0x59: {  	v5 =	vld [tilespmem:s28+$0x8010];
	v16 =	vor.u32 v0, v16;
	v21 =	vmul.f32 $6.400080200e+00, v6;
	v12 =	vmul.f32 v15, v12  }
0x5a: {  	v20 =	vmin.f32 v20, $5.125000000e+02;
	v18 =	vor.u32 v0, v18;
	v6 =	vld [tilespmem:s28+$0x8020];
	v11 =	vmul.f32 $6.400080200e+00, v11  }
0x5b: {  	v17 =	vmul.f32 v17, v4;
	v15 =	vmin.f32 v21, $5.125000000e+02;
	v21 =	vld [tilespmem:s28+$0x20];
	v12 =	vadd.f32 $1.552480460e-01, v12  }
0x5c: {  	v20 =	vtrunc.f32 v20;
	v15 =	vtrunc.f32 v15;
	v11 =	vmin.f32 v11, $5.125000000e+02  }
0x5d: {  	[tilespmem:v14+s22+$0x0] =	vst.idx.add.f32.msk $0xffff, v2;
	v14 =	vadd.f32 $1.552480460e-01, v17;
	v17 =	vcvt.f32.s32 v20;
	v12 =	vmul.f32 $6.400080200e+00, v12  }
0x5e: {  	[tilespmem:v13+s23+$0x0] =	vst.idx.add.f32.msk $0xffff, v2;
	v11 =	vtrunc.f32 v11;
	v22 =	vmul.f32 v22, v5  }
0x5f: {  	[tilespmem:v18+s22+$0x0] =	vst.idx.add.f32.msk $0xffff, v2;
	v18 =	vcvt.f32.s32 v8;
	v14 =	vmul.f32 $6.400080200e+00, v14;
	v12 =	vmin.f32 v12, $5.125000000e+02  }
0x60: {  	s10 =	simm.s32 $0xC0;
	s4 =	simm.s32 $0x600;
	[tilespmem:v16+s22+$0x0] =	vst.idx.add.f32.msk $0xffff, v2;
	v16 =	vshll.u32 v17, $0x4;
	v13 =	vmul.f32 v21, v6;
	v12 =	vtrunc.f32 v12  }
0x61: {  	s8 =	simm.s32 $0x30;
	s6 =	sand.u32 $0x1000, s10;
	s11 =	sand.u32 $0xC00, s4;
	v17 =	vld [tilespmem:s30+$0x4000];
	v8 =	vadd.f32 $1.552480460e-01, v22;
	v16 =	vor.u32 v0, v16;
	v12 =	vcvt.f32.s32 v12  }
0x62: {  	s8 =	sand.u32 $0x380, s8;
	s7 =	sor.u32 s11, s6;
	s6 =	simm.s32 $0xC0;
	v15 =	vcvt.f32.s32 v15;
	v11 =	vcvt.f32.s32 v11;
	v20 =	vld [tilespmem:s30+$0x4010];
	v13 =	vadd.f32 $1.552480460e-01, v13  }
0x63: {  	s10 =	sand.u32 $0x40, s6;
	s7 =	sor.u32 s8, s7;
	v14 =	vmin.f32 v14, $5.125000000e+02;
	v8 =	vmul.f32 $6.400080200e+00, v8;
	v12 =	vshll.u32 v12, $0x4  }
0x64: {  	v21 =	vld [tilespmem:s30+$0x4020];
	s30 =	sor.u32 s10, s7;
	v14 =	vtrunc.f32 v14;
	v13 =	vmul.f32 $6.400080200e+00, v13;
	v12 =	vor.u32 v0, v12  }
0x65: {  	v15 =	vshll.u32 v15, $0x4;
	v23 =	vld [tilespmem:s30+$0x30];
	v14 =	vcvt.f32.s32 v14;
	v8 =	vmin.f32 v8, $5.125000000e+02  }
0x66: {  	v22 =	vtrunc.f32 v8;
	[tilespmem:v16+s22+$0x0] =	vst.idx.add.f32.msk $0xffff, v2;
	v16 =	vmul.f32 v17, v7;
	v13 =	vmin.f32 v13, $5.125000000e+02  }
0x67: {  	v24 =	vld [tilespmem:s30+$0x0];
	v14 =	vshll.u32 v14, $0x4;
	v9 =	vmul.f32 v20, v9;
	v13 =	vtrunc.f32 v13  }
0x68: {  	v8 =	vld [tilespmem:s30+$0x8030];
	v17 =	vshll.u32 v18, $0x4;
	v22 =	vcvt.f32.s32 v22;
	v13 =	vcvt.f32.s32 v13  }
0x69: {  	v14 =	vor.u32 v0, v14;
	v10 =	vmul.f32 v21, v10;
	v16 =	vadd.f32 $1.552480460e-01, v16;
	[tilespmem:v12+s23+$0x0] =	vst.idx.add.f32.msk $0xffff, v2  }
0x6a: {  	v20 =	vadd.f32 $1.552480460e-01, v9;
	v7 =	vshll.u32 v22, $0x4;
	v12 =	vshll.u32 v13, $0x4;
	v13 =	vld [tilespmem:s28+$0x4030]  }
0x6b: {  	v25 =	vld [tilespmem:s30+$0x20];
	v10 =	vadd.f32 $1.552480460e-01, v10;
	v18 =	vor.u32 v0, v7;
	v22 =	vor.u32 v0, v12  }
0x6c: {  	v7 =	vld [tilespmem:s30+$0x8000];
	v12 =	vor.u32 v0, v15;
	v15 =	vmul.f32 $6.400080200e+00, v16;
	v16 =	vmul.f32 $6.400080200e+00, v20  }
0x6d: {  	v20 =	vmul.f32 v23, v8;
	v23 =	vmul.f32 $6.400080200e+00, v10;
	v10 =	vld [tilespmem:s30+$0x8020]  }
0x6e: {  	v21 =	vshll.u32 v11, $0x4;
	v11 =	vor.u32 v0, v17;
	v17 =	vld [tilespmem:s30+$0x10];
	v16 =	vmin.f32 v16, $5.125000000e+02  }
0x6f: {  	v9 =	vld [tilespmem:s30+$0x8010];
	v15 =	vmin.f32 v15, $5.125000000e+02;
	v63 =	vtrunc.f32 v16;
	v13 =	vmul.f32 v13, v19  }
0x70: {  	[tilespmem:v14+s22+$0x0] =	vst.idx.add.f32.msk $0xffff, v2;
	v19 =	vadd.f32 $1.552480460e-01, v20;
	v20 =	vtrunc.f32 v15;
	v15 =	vmin.f32 v23, $5.125000000e+02  }
0x71: {  	[tilespmem:v18+s22+$0x0] =	vst.idx.add.f32.msk $0xffff, v2;
	v23 =	vmul.f32 v24, v7;
	v18 =	vtrunc.f32 v15;
	v14 =	vadd.f32 $1.552480460e-01, v13  }
0x72: {  	[tilespmem:v22+s22+$0x0] =	vst.idx.add.f32.msk $0xffff, v2;
	v22 =	vmul.f32 v25, v10;
	v16 =	vmul.f32 $6.400080200e+00, v19  }
0x73: {  	v13 =	vor.u32 v0, v21;
	v19 =	vadd.f32 $1.552480460e-01, v23;
	v26 =	vmul.f32 $6.400080200e+00, v14  }
0x74: {  	v15 =	vld [tilespmem:s28+$0x4000];
	v21 =	vmul.f32 v17, v9;
	v17 =	vmin.f32 v16, $5.125000000e+02;
	v16 =	vcvt.f32.s32 v20  }
0x75: {  	s7 =	simm.s32 $0xC;
	v14 =	vcvt.f32.s32 v63;
	v23 =	vtrunc.f32 v17;
	v17 =	vld [tilespmem:s28+$0x4010];
	v20 =	vmin.f32 v26, $5.125000000e+02  }
.LBB2_5:
0x76: {  	s7 =	sadd.s32 $0x4, s7;
	v21 =	vadd.f32 $1.552480460e-01, v21;
	v23 =	vcvt.f32.s32 v23;
	v24 =	vld [tilespmem:s28+$0x4020];
	v20 =	vtrunc.f32 v20;
	s28 =	smov.u32 s30  }
0x77: {  	v19 =	vmul.f32 $6.400080200e+00, v19;
	s4 =	sadd.s32 $0x200, s4;
	s8 =	sshll.u32 s7, $0x4;
	v22 =	vadd.f32 $1.552480460e-01, v22;
	v20 =	vcvt.f32.s32 v20;
	[tilespmem:v12+s23+$0x0] =	vst.idx.add.f32.msk $0xffff, v2  }
0x78: {  	v18 =	vcvt.f32.s32 v18;
	s10 =	sand.u32 $0xC00, s4;
	s30 =	sshll.u32 s7, $0x2;
	s8 =	sand.u32 $0x1000, s8;
	v12 =	vmul.f32 $6.400080200e+00, v21;
	v21 =	vshll.u32 v23, $0x4;
	[tilespmem:v11+s23+$0x0] =	vst.idx.add.f32.msk $0xffff, v2  }
0x79: {  	s6 =	sadd.s32 $0x40, s6;
	s8 =	sor.u32 s10, s8;
	s10 =	sand.u32 $0x380, s30;
	v11 =	vmul.f32 $6.400080200e+00, v22;
	v21 =	vor.u32 v0, v21;
	v20 =	vshll.u32 v20, $0x4;
	[tilespmem:v13+s23+$0x0] =	vst.idx.add.f32.msk $0xffff, v2  }
0x7a: {  	p0 =	slt.u32 s7, $0x1FC;
	s30 =	sand.u32 $0x40, s6;
	v13 =	vmin.f32 v19, $5.125000000e+02;
	s8 =	sor.u32 s10, s8;
	v12 =	vmin.f32 v12, $5.125000000e+02;
	v19 =	vor.u32 v0, v20  }
0x7b: {  	v13 =	vtrunc.f32 v13;
	s30 =	sor.u32 s30, s8;
	v12 =	vtrunc.f32 v12;
	v11 =	vmin.f32 v11, $5.125000000e+02  }
0x7c: {  	v16 =	vshll.u32 v16, $0x4;
	v13 =	vcvt.f32.s32 v13;
	v20 =	vld [tilespmem:s30+$0x8030];
	v11 =	vtrunc.f32 v11  }
0x7d: {  	v14 =	vshll.u32 v14, $0x4;
	v12 =	vcvt.f32.s32 v12;
	v22 =	vld [tilespmem:s30+$0x30];
	v11 =	vcvt.f32.s32 v11  }
0x7e: {  	v15 =	vmul.f32 v15, v4;
	v17 =	vmul.f32 v17, v5;
	v13 =	vshll.u32 v13, $0x4;
	[tilespmem:v21+s22+$0x0] =	vst.idx.add.f32.msk $0xffff, v2  }
0x7f: {  	v4 =	vmovc v7;
	v21 =	vor.u32 v0, v13;
	v12 =	vshll.u32 v12, $0x4;
	v11 =	vshll.u32 v11, $0x4;
	[tilespmem:v19+s23+$0x0] =	vst.idx.add.f32.msk $0xffff, v2  }
0x80: {  	v5 =	vmovc v9;
	v19 =	vor.u32 v0, v12;
	v23 =	vor.u32 v0, v11;
	v25 =	vld [tilespmem:s28+$0x4030];
	v11 =	vmul.f32 v24, v6  }
0x81: {  	v13 =	vadd.f32 $1.552480460e-01, v15;
	v15 =	vadd.f32 $1.552480460e-01, v17;
	v17 =	vshll.u32 v18, $0x4;
	v6 =	vmovc v10;
	v7 =	vld [tilespmem:s30+$0x8000]  }
0x82: {  	v12 =	vor.u32 v0, v16;
	v18 =	vld [tilespmem:s30+$0x0];
	v10 =	vadd.f32 $1.552480460e-01, v11;
	v11 =	vor.u32 v0, v14  }
0x83: {  	v15 =	vmul.f32 $6.400080200e+00, v15;
	v14 =	vmul.f32 $6.400080200e+00, v13;
	v13 =	vor.u32 v0, v17;
	v9 =	vld [tilespmem:s30+$0x8010]  }
0x84: {  	v17 =	vmul.f32 v22, v20;
	v16 =	vld [tilespmem:s30+$0x10];
	v22 =	vmul.f32 $6.400080200e+00, v10  }
0x85: {  	v15 =	vmin.f32 v15, $5.125000000e+02;
	v14 =	vmin.f32 v14, $5.125000000e+02;
	v10 =	vld [tilespmem:s30+$0x8020];
	v24 =	vmul.f32 v25, v8;
	v8 =	vmovc v20  }
0x86: {  	v17 =	vadd.f32 $1.552480460e-01, v17;
	v14 =	vtrunc.f32 v14;
	v20 =	vld [tilespmem:s30+$0x20];
	v22 =	vmin.f32 v22, $5.125000000e+02  }
.Ltmp1:
0x87: {  	v26 =	vtrunc.f32 v15;
	v25 =	vmul.f32 v18, v7;
	[tilespmem:v21+s22+$0x0] =	vst.idx.add.f32.msk $0xffff, v2;
	v24 =	vadd.f32 $1.552480460e-01, v24;
	(pc) =	sbr.rel @p0 .LBB2_5-.Ltmp1, $4  }
0x88: {  	v15 =	vmul.f32 $6.400080200e+00, v17;
	v18 =	vtrunc.f32 v22;
	[tilespmem:v19+s22+$0x0] =	vst.idx.add.f32.msk $0xffff, v2  }
0x89: {  	v19 =	vadd.f32 $1.552480460e-01, v25;
	v21 =	vmul.f32 v16, v9;
	[tilespmem:v23+s22+$0x0] =	vst.idx.add.f32.msk $0xffff, v2;
	v24 =	vmul.f32 $6.400080200e+00, v24  }
0x8a: {  	v17 =	vmin.f32 v15, $5.125000000e+02;
	v16 =	vcvt.f32.s32 v14;
	v14 =	vcvt.f32.s32 v26;
	v15 =	vld [tilespmem:s28+$0x4000]  }
0x8b: {  	v23 =	vtrunc.f32 v17;
	v22 =	vmul.f32 v20, v10;
	v17 =	vld [tilespmem:s28+$0x4010];
	v20 =	vmin.f32 v24, $5.125000000e+02  }
0x8c: {  	v21 =	vadd.f32 $1.552480460e-01, v21;
	v19 =	vmul.f32 $6.400080200e+00, v19  }
0x8d: {  	v22 =	vadd.f32 $1.552480460e-01, v22  }
0x8e: {  	v23 =	vcvt.f32.s32 v23;
	v21 =	vmul.f32 $6.400080200e+00, v21;
	v19 =	vmin.f32 v19, $5.125000000e+02  }
0x8f: {  	v22 =	vmul.f32 $6.400080200e+00, v22;
	v19 =	vtrunc.f32 v19  }
0x90: {  	v23 =	vshll.u32 v23, $0x4;
	v21 =	vmin.f32 v21, $5.125000000e+02;
	v19 =	vcvt.f32.s32 v19  }
0x91: {  	v23 =	vor.u32 v0, v23;
	v21 =	vtrunc.f32 v21;
	v22 =	vmin.f32 v22, $5.125000000e+02  }
0x92: {  	v24 =	vld [tilespmem:s28+$0x4020];
	v22 =	vtrunc.f32 v22;
	v21 =	vcvt.f32.s32 v21;
	v19 =	vshll.u32 v19, $0x4  }
0x93: {  	v22 =	vcvt.f32.s32 v22;
	v19 =	vor.u32 v0, v19  }
0x94: {  	v21 =	vshll.u32 v21, $0x4  }
0x95: {  	v22 =	vshll.u32 v22, $0x4;
	v21 =	vor.u32 v0, v21  }
0x96: {  	v20 =	vtrunc.f32 v20;
	v4 =	vmul.f32 v15, v4;
	[tilespmem:v23+s22+$0x0] =	vst.idx.add.f32.msk $0xffff, v2;
	v22 =	vor.u32 v0, v22  }
0x97: {  	v16 =	vshll.u32 v16, $0x4;
	v5 =	vmul.f32 v17, v5;
	v6 =	vmul.f32 v24, v6;
	v23 =	vld [tilespmem:s30+$0x4030]  }
0x98: {  	v14 =	vshll.u32 v14, $0x4;
	v20 =	vcvt.f32.s32 v20;
	v4 =	vadd.f32 $1.552480460e-01, v4;
	[tilespmem:v19+s22+$0x0] =	vst.idx.add.f32.msk $0xffff, v2  }
0x99: {  	v15 =	vcvt.f32.s32 v18;
	v5 =	vadd.f32 $1.552480460e-01, v5;
	v6 =	vadd.f32 $1.552480460e-01, v6;
	v18 =	vld [tilespmem:s30+$0x4000]  }
0x9a: {  	v16 =	vor.u32 v0, v16;
	v14 =	vor.u32 v0, v14;
	v4 =	vmul.f32 $6.400080200e+00, v4;
	[tilespmem:v21+s22+$0x0] =	vst.idx.add.f32.msk $0xffff, v2  }
0x9b: {  	v20 =	vshll.u32 v20, $0x4;
	v5 =	vmul.f32 $6.400080200e+00, v5;
	v6 =	vmul.f32 $6.400080200e+00, v6;
	[tilespmem:v22+s22+$0x0] =	vst.idx.add.f32.msk $0xffff, v2  }
0x9c: {  	v17 =	vor.u32 v0, v20;
	v4 =	vmin.f32 v4, $5.125000000e+02;
	v8 =	vmul.f32 v23, v8;
	v19 =	vld [tilespmem:s30+$0x4010]  }
0x9d: {  	v5 =	vmin.f32 v5, $5.125000000e+02;
	v4 =	vtrunc.f32 v4;
	v6 =	vmin.f32 v6, $5.125000000e+02;
	v20 =	vld [tilespmem:s30+$0x4020]  }
0x9e: {  	v5 =	vtrunc.f32 v5;
	v4 =	vcvt.f32.s32 v4;
	v8 =	vadd.f32 $1.552480460e-01, v8  }
0x9f: {  	v15 =	vshll.u32 v15, $0x4;
	v6 =	vtrunc.f32 v6;
	v5 =	vcvt.f32.s32 v5  }
0xa0: {  	v15 =	vor.u32 v0, v15;
	v8 =	vmul.f32 $6.400080200e+00, v8;
	v7 =	vmul.f32 v18, v7  }
0xa1: {  	v6 =	vcvt.f32.s32 v6;
	v4 =	vshll.u32 v4, $0x4;
	v9 =	vmul.f32 v19, v9  }
0xa2: {  	v8 =	vmin.f32 v8, $5.125000000e+02;
	v7 =	vadd.f32 $1.552480460e-01, v7;
	v10 =	vmul.f32 v20, v10  }
0xa3: {  	v5 =	vshll.u32 v5, $0x4;
	v8 =	vtrunc.f32 v8;
	v9 =	vadd.f32 $1.552480460e-01, v9  }
0xa4: {  	v8 =	vcvt.f32.s32 v8;
	v7 =	vmul.f32 $6.400080200e+00, v7;
	v10 =	vadd.f32 $1.552480460e-01, v10  }
0xa5: {  	[tilespmem:v12+s23+$0x0] =	vst.idx.add.f32.msk $0xffff, v2;
	v4 =	vor.u32 v0, v4;
	v6 =	vshll.u32 v6, $0x4;
	v9 =	vmul.f32 $6.400080200e+00, v9  }
0xa6: {  	[tilespmem:v11+s23+$0x0] =	vst.idx.add.f32.msk $0xffff, v2;
	v8 =	vshll.u32 v8, $0x4;
	v7 =	vmin.f32 v7, $5.125000000e+02;
	v10 =	vmul.f32 $6.400080200e+00, v10  }
0xa7: {  	[tilespmem:v13+s23+$0x0] =	vst.idx.add.f32.msk $0xffff, v2;
	v8 =	vor.u32 v0, v8;
	v7 =	vtrunc.f32 v7;
	v9 =	vmin.f32 v9, $5.125000000e+02  }
0xa8: {  	[tilespmem:v16+s23+$0x0] =	vst.idx.add.f32.msk $0xffff, v2;
	v7 =	vcvt.f32.s32 v7;
	v10 =	vmin.f32 v10, $5.125000000e+02;
	v9 =	vtrunc.f32 v9  }
0xa9: {  	[tilespmem:v14+s23+$0x0] =	vst.idx.add.f32.msk $0xffff, v2;
	v5 =	vor.u32 v0, v5;
	v10 =	vtrunc.f32 v10;
	v9 =	vcvt.f32.s32 v9  }
0xaa: {  	[tilespmem:v17+s23+$0x0] =	vst.idx.add.f32.msk $0xffff, v2;
	v6 =	vor.u32 v0, v6;
	v7 =	vshll.u32 v7, $0x4;
	v10 =	vcvt.f32.s32 v10  }
0xab: {  	[tilespmem:v15+s23+$0x0] =	vst.idx.add.f32.msk $0xffff, v2;
	v7 =	vor.u32 v0, v7;
	v9 =	vshll.u32 v9, $0x4  }
0xac: {  	[tilespmem:v8+s23+$0x0] =	vst.idx.add.f32.msk $0xffff, v2;
	v8 =	vshll.u32 v10, $0x4;
	v9 =	vor.u32 v0, v9  }
0xad: {  	[tilespmem:v4+s23+$0x0] =	vst.idx.add.f32.msk $0xffff, v2;
	v4 =	vor.u32 v0, v8  }
0xae: {  	[tilespmem:v5+s23+$0x0] =	vst.idx.add.f32.msk $0xffff, v2  }
0xaf: {  	[tilespmem:v6+s23+$0x0] =	vst.idx.add.f32.msk $0xffff, v2  }
0xb0: {  	[tilespmem:v7+s23+$0x0] =	vst.idx.add.f32.msk $0xffff, v2  }
0xb1: {  	[tilespmem:v9+s23+$0x0] =	vst.idx.add.f32.msk $0xffff, v2  }
0xb2: {  	[tilespmem:v4+s23+$0x0] =	vst.idx.add.f32.msk $0xffff, v2  }
0xb3: {  	_ =	swait.ge [sflag:s24], $0x2000  }
0xb4: {  	[sflag:s24] =	ssyncset.done $0x0  }
0xb5: {  	[sflag:s24] =	ssyncadd.s32 $0xFFFFE000  }
0xb6: {  	_ =	swait.ge [sflag:s25], $0x2000  }
0xb7: {  	s4 =	sshll.u32 s3, $0x1;
	[sflag:s25] =	ssyncset.done $0x0  }
0xb8: {  	s4 =	smin.u32 s4, $0x1D;
	[sflag:s25] =	ssyncadd.s32 $0xFFFFE000  }
0xb9: {  	s4 =	sshll.u32 s4, $0xA;
	_ =	swait.ge [sflag:s26], $0x2000  }
0xba: {  	s4 =	sadd.s32 s4, s9;
	[sflag:s26] =	ssyncset.done $0x0  }
0xbb: {  	s7 =	simm.s32 $0x0;
	s6 =	sadd.s32 s1, s4;
	[sflag:s26] =	ssyncadd.s32 $0xFFFFE000  }
0xbc: {  	[tilespmem:s7], [sflag:$0x1] =	stream.linear.gather [hbm4b:s6+s7], $0x2000, $0x38;
	[tilespmem:$0x10500] =	vst v63  }
0xbd: {  	s10 =	sadd.s32 s2, s4  }
0xbe: {  	[tilespmem:s14], [sflag:$0x2] =	stream.linear.gather [hbm4b:s10+s7], $0x2000, $0x38;
	[tilespmem:$0x10500] =	vst v63  }
0xbf: {  	s4 =	sadd.s32 s5, s4  }
0xc0: {  	[tilespmem:s15], [sflag:$0x3] =	stream.linear.gather [hbm4b:s4+s7], $0x2000, $0x38;
	[tilespmem:$0x10500] =	vst v63  }
0xc1: {  	s11 =	sand.u32 $0x40, s7;
	s10 =	simm.s32 $0x0;
	s7 =	sand.u32 $0xC00, s7  }
0xc2: {  	s8 =	simm.s32 $0x0;
	s6 =	sand.u32 $0x1000, s10;
	s4 =	sor.u32 s7, s11  }
0xc3: {  	s11 =	sand.u32 $0x380, s8;
	s4 =	sor.u32 s6, s4  }
0xc4: {  	s4 =	sor.u32 s11, s4  }
0xc5: {  	v4 =	vld [tilespmem:s4+$0xA030]  }
0xc6: {  	v5 =	vld [tilespmem:s4+$0x2030];
	_ =	sdelay $0x4  }
0xc7: {  	v8 =	vld [tilespmem:s4+$0xA010];
	v5 =	vmul.f32 v5, v4  }
0xc8: {  	v9 =	vld [tilespmem:s4+$0x2010]  }
0xc9: {  	v5 =	vadd.f32 $1.552480460e-01, v5  }
0xca: {  	v6 =	vld [tilespmem:s4+$0xA000]  }
0xcb: {  	s7 =	simm.s32 $0x40;
	s8 =	simm.s32 $0x200;
	v7 =	vld [tilespmem:s4+$0x2000];
	v5 =	vmul.f32 $6.400080200e+00, v5  }
0xcc: {  	s10 =	simm.s32 $0x40;
	s6 =	sand.u32 $0x40, s7;
	s7 =	sand.u32 $0xC00, s8  }
0xcd: {  	s8 =	sand.u32 $0x1000, s10;
	s10 =	simm.s32 $0x10;
	s6 =	sor.u32 s7, s6;
	v11 =	vld [tilespmem:s4+$0xA020];
	v9 =	vmul.f32 v9, v8;
	v5 =	vmin.f32 v5, $5.125000000e+02  }
0xce: {  	s11 =	sand.u32 $0x380, s10;
	v10 =	vld [tilespmem:s4+$0x2020];
	s6 =	sor.u32 s8, s6;
	v5 =	vtrunc.f32 v5  }
0xcf: {  	s6 =	sor.u32 s11, s6;
	v9 =	vadd.f32 $1.552480460e-01, v9;
	v5 =	vcvt.f32.s32 v5  }
0xd0: {  	v12 =	vld [tilespmem:s6+$0xA030];
	v7 =	vmul.f32 v7, v6  }
0xd1: {  	v13 =	vld [tilespmem:s6+$0x2030];
	v9 =	vmul.f32 $6.400080200e+00, v9;
	v5 =	vshll.u32 v5, $0x4  }
0xd2: {  	v7 =	vadd.f32 $1.552480460e-01, v7;
	v5 =	vor.u32 v0, v5  }
0xd3: {  	v10 =	vmul.f32 v10, v11;
	v9 =	vmin.f32 v9, $5.125000000e+02  }
0xd4: {  	v15 =	vld [tilespmem:s6+$0x2000];
	v7 =	vmul.f32 $6.400080200e+00, v7;
	v9 =	vtrunc.f32 v9  }
0xd5: {  	v17 =	vld [tilespmem:s6+$0x2010];
	v10 =	vadd.f32 $1.552480460e-01, v10;
	v16 =	vcvt.f32.s32 v9  }
0xd6: {  	v13 =	vmul.f32 v13, v12;
	v7 =	vmin.f32 v7, $5.125000000e+02;
	v9 =	vld [tilespmem:s6+$0xA010]  }
0xd7: {  	v16 =	vshll.u32 v16, $0x4;
	[tilespmem:v5+s22+$0x0] =	vst.idx.add.f32.msk $0xffff, v2;
	v5 =	vmul.f32 $6.400080200e+00, v10;
	v10 =	vtrunc.f32 v7  }
0xd8: {  	v13 =	vadd.f32 $1.552480460e-01, v13;
	v16 =	vor.u32 v0, v16;
	v14 =	vld [tilespmem:s4+$0x6030];
	v10 =	vcvt.f32.s32 v10  }
0xd9: {  	v7 =	vld [tilespmem:s6+$0xA000];
	v5 =	vmin.f32 v5, $5.125000000e+02  }
0xda: {  	v19 =	vld [tilespmem:s6+$0x2020];
	v13 =	vmul.f32 $6.400080200e+00, v13;
	v5 =	vtrunc.f32 v5;
	v10 =	vshll.u32 v10, $0x4  }
0xdb: {  	v5 =	vcvt.f32.s32 v5;
	v18 =	vor.u32 v0, v10;
	v10 =	vld [tilespmem:s6+$0xA020]  }
0xdc: {  	s10 =	simm.s32 $0x400;
	s8 =	simm.s32 $0x80;
	v13 =	vmin.f32 v13, $5.125000000e+02  }
0xdd: {  	s7 =	sand.u32 $0x40, s8;
	s11 =	simm.s32 $0x80;
	s8 =	sand.u32 $0xC00, s10;
	v13 =	vtrunc.f32 v13;
	[tilespmem:v16+s22+$0x0] =	vst.idx.add.f32.msk $0xffff, v2;
	v5 =	vshll.u32 v5, $0x4;
	v4 =	vmul.f32 v14, v4  }
0xde: {  	s28 =	simm.s32 $0x20;
	s10 =	sand.u32 $0x1000, s11;
	s7 =	sor.u32 s8, s7;
	v14 =	vmul.f32 v15, v7;
	v15 =	vmul.f32 v17, v9;
	v17 =	vld [tilespmem:s4+$0x6010];
	v5 =	vor.u32 v0, v5  }
0xdf: {  	s11 =	sand.u32 $0x380, s28;
	s7 =	sor.u32 s10, s7;
	v13 =	vcvt.f32.s32 v13;
	v4 =	vadd.f32 $1.552480460e-01, v4  }
0xe0: {  	s7 =	sor.u32 s11, s7;
	v14 =	vadd.f32 $1.552480460e-01, v14;
	v16 =	vmul.f32 v19, v10  }
0xe1: {  	v20 =	vld [tilespmem:s7+$0x2030];
	v13 =	vshll.u32 v13, $0x4;
	v4 =	vmul.f32 $6.400080200e+00, v4  }
0xe2: {  	v13 =	vor.u32 v0, v13;
	v19 =	vld [tilespmem:s7+$0xA030];
	v14 =	vmul.f32 $6.400080200e+00, v14;
	v16 =	vadd.f32 $1.552480460e-01, v16  }
0xe3: {  	v8 =	vmul.f32 v17, v8;
	[tilespmem:v5+s22+$0x0] =	vst.idx.add.f32.msk $0xffff, v2;
	v5 =	vadd.f32 $1.552480460e-01, v15;
	v4 =	vmin.f32 v4, $5.125000000e+02  }
0xe4: {  	[tilespmem:v18+s22+$0x0] =	vst.idx.add.f32.msk $0xffff, v2;
	v14 =	vmin.f32 v14, $5.125000000e+02;
	v4 =	vtrunc.f32 v4;
	v16 =	vmul.f32 $6.400080200e+00, v16  }
0xe5: {  	v15 =	vld [tilespmem:s4+$0x6000];
	v14 =	vtrunc.f32 v14;
	v8 =	vadd.f32 $1.552480460e-01, v8;
	v5 =	vmul.f32 $6.400080200e+00, v5  }
0xe6: {  	v4 =	vcvt.f32.s32 v4;
	v14 =	vcvt.f32.s32 v14  }
0xe7: {  	v18 =	vld [tilespmem:s4+$0x6020];
	v20 =	vmul.f32 v20, v19;
	v16 =	vmin.f32 v16, $5.125000000e+02;
	v8 =	vmul.f32 $6.400080200e+00, v8  }
0xe8: {  	[tilespmem:v13+s22+$0x0] =	vst.idx.add.f32.msk $0xffff, v2;
	v5 =	vmin.f32 v5, $5.125000000e+02;
	v4 =	vshll.u32 v4, $0x4;
	v16 =	vtrunc.f32 v16  }
0xe9: {  	v17 =	vld [tilespmem:s7+$0x2000];
	v14 =	vshll.u32 v14, $0x4;
	v20 =	vadd.f32 $1.552480460e-01, v20;
	v5 =	vtrunc.f32 v5  }
0xea: {  	v6 =	vmul.f32 v15, v6;
	v13 =	vor.u32 v0, v4;
	v15 =	vld [tilespmem:s6+$0x6030];
	v16 =	vcvt.f32.s32 v16  }
0xeb: {  	v4 =	vld [tilespmem:s7+$0xA000];
	v14 =	vor.u32 v0, v14;
	v8 =	vmin.f32 v8, $5.125000000e+02;
	v5 =	vcvt.f32.s32 v5  }
0xec: {  	v11 =	vmul.f32 v18, v11;
	v8 =	vtrunc.f32 v8;
	v6 =	vadd.f32 $1.552480460e-01, v6  }
0xed: {  	v22 =	vld [tilespmem:s7+$0x2010];
	v20 =	vmul.f32 $6.400080200e+00, v20;
	v16 =	vshll.u32 v16, $0x4;
	v18 =	vshll.u32 v5, $0x4  }
0xee: {  	v11 =	vadd.f32 $1.552480460e-01, v11;
	v5 =	vld [tilespmem:s7+$0xA010];
	v16 =	vor.u32 v0, v16;
	v21 =	vmul.f32 $6.400080200e+00, v6  }
0xef: {  	v20 =	vmin.f32 v20, $5.125000000e+02;
	v18 =	vor.u32 v0, v18;
	v12 =	vmul.f32 v15, v12  }
0xf0: {  	v6 =	vld [tilespmem:s7+$0xA020];
	v11 =	vmul.f32 $6.400080200e+00, v11;
	v17 =	vmul.f32 v17, v4;
	v15 =	vmin.f32 v21, $5.125000000e+02  }
0xf1: {  	v20 =	vtrunc.f32 v20;
	[tilespmem:v14+s22+$0x0] =	vst.idx.add.f32.msk $0xffff, v2;
	v15 =	vtrunc.f32 v15;
	v12 =	vadd.f32 $1.552480460e-01, v12  }
0xf2: {  	v21 =	vld [tilespmem:s7+$0x2020];
	v11 =	vmin.f32 v11, $5.125000000e+02;
	v14 =	vadd.f32 $1.552480460e-01, v17;
	v17 =	vcvt.f32.s32 v20  }
0xf3: {  	v11 =	vtrunc.f32 v11;
	v22 =	vmul.f32 v22, v5  }
0xf4: {  	[tilespmem:v13+s23+$0x0] =	vst.idx.add.f32.msk $0xffff, v2;
	v15 =	vcvt.f32.s32 v15;
	v12 =	vmul.f32 $6.400080200e+00, v12  }
0xf5: {  	s30 =	simm.s32 $0xC0;
	s4 =	simm.s32 $0x600;
	[tilespmem:v18+s22+$0x0] =	vst.idx.add.f32.msk $0xffff, v2;
	v18 =	vcvt.f32.s32 v8;
	v14 =	vmul.f32 $6.400080200e+00, v14  }
0xf6: {  	s8 =	sand.u32 $0x40, s30;
	s11 =	simm.s32 $0xC0;
	s28 =	sand.u32 $0xC00, s4;
	[tilespmem:v16+s22+$0x0] =	vst.idx.add.f32.msk $0xffff, v2;
	v16 =	vshll.u32 v17, $0x4;
	v8 =	vadd.f32 $1.552480460e-01, v22;
	v12 =	vmin.f32 v12, $5.125000000e+02  }
0xf7: {  	s10 =	sand.u32 $0x1000, s11;
	s11 =	simm.s32 $0x30;
	s8 =	sor.u32 s28, s8;
	v16 =	vor.u32 v0, v16;
	v20 =	vld [tilespmem:s6+$0x6010];
	v13 =	vmul.f32 v21, v6;
	v12 =	vtrunc.f32 v12  }
0xf8: {  	s11 =	sand.u32 $0x380, s11;
	s8 =	sor.u32 s10, s8;
	v17 =	vld [tilespmem:s6+$0x6000];
	v14 =	vmin.f32 v14, $5.125000000e+02;
	v8 =	vmul.f32 $6.400080200e+00, v8;
	v12 =	vcvt.f32.s32 v12  }
0xf9: {  	s28 =	sor.u32 s11, s8;
	v11 =	vcvt.f32.s32 v11;
	v14 =	vtrunc.f32 v14;
	v13 =	vadd.f32 $1.552480460e-01, v13  }
0xfa: {  	v23 =	vld [tilespmem:s28+$0x2030];
	v14 =	vcvt.f32.s32 v14;
	v8 =	vmin.f32 v8, $5.125000000e+02;
	v12 =	vshll.u32 v12, $0x4  }
0xfb: {  	v21 =	vld [tilespmem:s6+$0x6020];
	v13 =	vmul.f32 $6.400080200e+00, v13;
	v22 =	vtrunc.f32 v8;
	v12 =	vor.u32 v0, v12  }
0xfc: {  	v8 =	vld [tilespmem:s28+$0xA030];
	v9 =	vmul.f32 v20, v9;
	v22 =	vcvt.f32.s32 v22  }
0xfd: {  	[tilespmem:v16+s22+$0x0] =	vst.idx.add.f32.msk $0xffff, v2;
	v16 =	vmul.f32 v17, v7;
	v17 =	vshll.u32 v18, $0x4;
	v13 =	vmin.f32 v13, $5.125000000e+02  }
0xfe: {  	v20 =	vadd.f32 $1.552480460e-01, v9;
	v9 =	vld [tilespmem:s28+$0xA010];
	v13 =	vtrunc.f32 v13;
	v7 =	vshll.u32 v22, $0x4  }
0xff: {  	v22 =	vshll.u32 v11, $0x4;
	v11 =	vor.u32 v0, v17;
	v17 =	vld [tilespmem:s28+$0x2010];
	v13 =	vcvt.f32.s32 v13  }
0x100: {  	v15 =	vshll.u32 v15, $0x4;
	v10 =	vmul.f32 v21, v10;
	[tilespmem:v12+s23+$0x0] =	vst.idx.add.f32.msk $0xffff, v2  }
0x101: {  	v14 =	vshll.u32 v14, $0x4;
	v16 =	vadd.f32 $1.552480460e-01, v16;
	v12 =	vshll.u32 v13, $0x4;
	v13 =	vld [tilespmem:s7+$0x6030]  }
0x102: {  	v24 =	vld [tilespmem:s28+$0x2000];
	v14 =	vor.u32 v0, v14;
	v10 =	vadd.f32 $1.552480460e-01, v10;
	v18 =	vor.u32 v0, v7  }
0x103: {  	v7 =	vld [tilespmem:s28+$0xA000];
	v21 =	vor.u32 v0, v12;
	v12 =	vor.u32 v0, v15;
	v15 =	vmul.f32 $6.400080200e+00, v16  }
0x104: {  	v25 =	vld [tilespmem:s28+$0x2020];
	v16 =	vmul.f32 $6.400080200e+00, v20;
	v20 =	vmul.f32 v23, v8  }
0x105: {  	v23 =	vmul.f32 $6.400080200e+00, v10;
	v10 =	vld [tilespmem:s28+$0xA020];
	v17 =	vmul.f32 v17, v9  }
0x106: {  	v15 =	vmin.f32 v15, $5.125000000e+02;
	v16 =	vmin.f32 v16, $5.125000000e+02;
	v13 =	vmul.f32 v13, v19  }
0x107: {  	v26 =	vtrunc.f32 v15;
	v15 =	vmin.f32 v23, $5.125000000e+02;
	v19 =	vadd.f32 $1.552480460e-01, v20  }
0x108: {  	[tilespmem:v14+s22+$0x0] =	vst.idx.add.f32.msk $0xffff, v2;
	v23 =	vtrunc.f32 v16;
	v20 =	vmul.f32 v24, v7;
	v14 =	vadd.f32 $1.552480460e-01, v13  }
0x109: {  	[tilespmem:v18+s22+$0x0] =	vst.idx.add.f32.msk $0xffff, v2;
	v13 =	vor.u32 v0, v22;
	v16 =	vmul.f32 $6.400080200e+00, v19;
	v19 =	vtrunc.f32 v15  }
0x10a: {  	[tilespmem:v21+s22+$0x0] =	vst.idx.add.f32.msk $0xffff, v2;
	v20 =	vadd.f32 $1.552480460e-01, v20;
	v22 =	vmul.f32 v25, v10;
	v21 =	vmul.f32 $6.400080200e+00, v14  }
0x10b: {  	v15 =	vld [tilespmem:s7+$0x6000];
	v18 =	vmin.f32 v16, $5.125000000e+02;
	v16 =	vcvt.f32.s32 v26;
	v14 =	vcvt.f32.s32 v23  }
0x10c: {  	v23 =	vadd.f32 $1.552480460e-01, v17;
	v17 =	vld [tilespmem:s7+$0x6020];
	v24 =	vtrunc.f32 v18;
	v21 =	vmin.f32 v21, $5.125000000e+02  }
0x10d: {  	s6 =	simm.s32 $0xC;
	v18 =	vld [tilespmem:s7+$0x6010];
	v24 =	vcvt.f32.s32 v24;
	v21 =	vtrunc.f32 v21  }
.LBB2_7:
0x10e: {  	s6 =	sadd.s32 $0x4, s6;
	v20 =	vmul.f32 $6.400080200e+00, v20;
	v22 =	vadd.f32 $1.552480460e-01, v22;
	s30 =	sadd.s32 $0x40, s30;
	s4 =	sadd.s32 $0x200, s4;
	v21 =	vcvt.f32.s32 v21;
	[tilespmem:v12+s23+$0x0] =	vst.idx.add.f32.msk $0xffff, v2  }
0x10f: {  	v19 =	vcvt.f32.s32 v19;
	s7 =	sand.u32 $0x40, s30;
	s8 =	sshll.u32 s6, $0x4;
	s10 =	sand.u32 $0xC00, s4;
	v12 =	vmul.f32 $6.400080200e+00, v23;
	v23 =	vshll.u32 v24, $0x4;
	[tilespmem:v11+s23+$0x0] =	vst.idx.add.f32.msk $0xffff, v2  }
0x110: {  	s11 =	sshll.u32 s6, $0x2;
	s8 =	sand.u32 $0x1000, s8;
	s7 =	sor.u32 s10, s7;
	v11 =	vmul.f32 $6.400080200e+00, v22;
	v22 =	vor.u32 v0, v23;
	v21 =	vshll.u32 v21, $0x4;
	[tilespmem:v13+s23+$0x0] =	vst.idx.add.f32.msk $0xffff, v2  }
0x111: {  	s10 =	sand.u32 $0x380, s11;
	v13 =	vmin.f32 v20, $5.125000000e+02;
	s7 =	sor.u32 s8, s7;
	v12 =	vmin.f32 v12, $5.125000000e+02;
	v20 =	vor.u32 v0, v21  }
0x112: {  	p0 =	slt.u32 s6, $0x1FC;
	v13 =	vtrunc.f32 v13;
	s7 =	sor.u32 s10, s7;
	v12 =	vtrunc.f32 v12;
	v11 =	vmin.f32 v11, $5.125000000e+02  }
0x113: {  	v16 =	vshll.u32 v16, $0x4;
	v13 =	vcvt.f32.s32 v13;
	v21 =	vld [tilespmem:s7+$0xA030];
	v11 =	vtrunc.f32 v11  }
0x114: {  	v14 =	vshll.u32 v14, $0x4;
	v12 =	vcvt.f32.s32 v12;
	v23 =	vld [tilespmem:s7+$0x2030];
	v11 =	vcvt.f32.s32 v11  }
0x115: {  	v15 =	vmul.f32 v15, v4;
	v18 =	vmul.f32 v18, v5;
	v13 =	vshll.u32 v13, $0x4;
	[tilespmem:v22+s22+$0x0] =	vst.idx.add.f32.msk $0xffff, v2  }
0x116: {  	v4 =	vmovc v7;
	v22 =	vor.u32 v0, v13;
	v12 =	vshll.u32 v12, $0x4;
	v11 =	vshll.u32 v11, $0x4;
	[tilespmem:v20+s23+$0x0] =	vst.idx.add.f32.msk $0xffff, v2  }
0x117: {  	v5 =	vmovc v9;
	v20 =	vor.u32 v0, v12;
	v24 =	vor.u32 v0, v11;
	v25 =	vld [tilespmem:s28+$0x6030];
	v11 =	vmul.f32 v17, v6  }
0x118: {  	v13 =	vadd.f32 $1.552480460e-01, v15;
	v15 =	vadd.f32 $1.552480460e-01, v18;
	v17 =	vshll.u32 v19, $0x4;
	v6 =	vmovc v10;
	v7 =	vld [tilespmem:s7+$0xA000]  }
0x119: {  	v12 =	vor.u32 v0, v16;
	v18 =	vld [tilespmem:s7+$0x2000];
	v10 =	vadd.f32 $1.552480460e-01, v11;
	v11 =	vor.u32 v0, v14  }
0x11a: {  	v15 =	vmul.f32 $6.400080200e+00, v15;
	v14 =	vmul.f32 $6.400080200e+00, v13;
	v13 =	vor.u32 v0, v17;
	v9 =	vld [tilespmem:s7+$0xA010]  }
0x11b: {  	v17 =	vmul.f32 v23, v21;
	v16 =	vld [tilespmem:s7+$0x2010];
	v19 =	vmul.f32 $6.400080200e+00, v10  }
0x11c: {  	v15 =	vmin.f32 v15, $5.125000000e+02;
	v14 =	vmin.f32 v14, $5.125000000e+02;
	v10 =	vld [tilespmem:s7+$0xA020];
	v23 =	vmul.f32 v25, v8;
	v8 =	vmovc v21  }
0x11d: {  	v17 =	vadd.f32 $1.552480460e-01, v17;
	v14 =	vtrunc.f32 v14;
	v21 =	vld [tilespmem:s7+$0x2020];
	v19 =	vmin.f32 v19, $5.125000000e+02  }
0x11e: {  	v18 =	vmul.f32 v18, v7;
	[tilespmem:v22+s22+$0x0] =	vst.idx.add.f32.msk $0xffff, v2;
	v22 =	vadd.f32 $1.552480460e-01, v23;
	v23 =	vtrunc.f32 v15  }
.Ltmp2:
0x11f: {  	v15 =	vmul.f32 $6.400080200e+00, v17;
	v19 =	vtrunc.f32 v19;
	[tilespmem:v20+s22+$0x0] =	vst.idx.add.f32.msk $0xffff, v2;
	(pc) =	sbr.rel @p0 .LBB2_7-.Ltmp2, $4  }
0x120: {  	v20 =	vadd.f32 $1.552480460e-01, v18;
	v17 =	vmul.f32 v16, v9;
	[tilespmem:v24+s22+$0x0] =	vst.idx.add.f32.msk $0xffff, v2;
	v24 =	vmul.f32 $6.400080200e+00, v22  }
0x121: {  	v18 =	vmin.f32 v15, $5.125000000e+02;
	v16 =	vcvt.f32.s32 v14;
	v14 =	vcvt.f32.s32 v23;
	v15 =	vld [tilespmem:s28+$0x6000]  }
0x122: {  	v22 =	vmul.f32 v21, v10;
	v21 =	vtrunc.f32 v18;
	v18 =	vld [tilespmem:s28+$0x6010];
	v25 =	vmin.f32 v24, $5.125000000e+02  }
0x123: {  	v23 =	vadd.f32 $1.552480460e-01, v17;
	v24 =	vcvt.f32.s32 v21;
	v17 =	vld [tilespmem:s28+$0x6020];
	v21 =	vtrunc.f32 v25;
	s28 =	smov.u32 s7  }
0x124: {  	v20 =	vmul.f32 $6.400080200e+00, v20  }
0x125: {  	v22 =	vadd.f32 $1.552480460e-01, v22;
	v23 =	vmul.f32 $6.400080200e+00, v23  }
0x126: {  	v20 =	vmin.f32 v20, $5.125000000e+02  }
0x127: {  	v22 =	vmul.f32 $6.400080200e+00, v22;
	v23 =	vmin.f32 v23, $5.125000000e+02;
	v20 =	vtrunc.f32 v20  }
0x128: {  	v24 =	vshll.u32 v24, $0x4;
	v23 =	vtrunc.f32 v23;
	v20 =	vcvt.f32.s32 v20  }
0x129: {  	v24 =	vor.u32 v0, v24;
	v22 =	vmin.f32 v22, $5.125000000e+02;
	v23 =	vcvt.f32.s32 v23  }
0x12a: {  	v22 =	vtrunc.f32 v22;
	v20 =	vshll.u32 v20, $0x4  }
0x12b: {  	v22 =	vcvt.f32.s32 v22;
	v20 =	vor.u32 v0, v20;
	v23 =	vshll.u32 v23, $0x4  }
0x12c: {  	v23 =	vor.u32 v0, v23  }
0x12d: {  	v4 =	vmul.f32 v15, v4;
	v22 =	vshll.u32 v22, $0x4  }
0x12e: {  	v5 =	vmul.f32 v18, v5;
	[tilespmem:v24+s22+$0x0] =	vst.idx.add.f32.msk $0xffff, v2;
	v22 =	vor.u32 v0, v22  }
0x12f: {  	v21 =	vcvt.f32.s32 v21;
	v6 =	vmul.f32 v17, v6;
	v24 =	vld [tilespmem:s28+$0x6030]  }
0x130: {  	v58 =	vcvt.f32.s32 v19;
	v4 =	vadd.f32 $1.552480460e-01, v4;
	v5 =	vadd.f32 $1.552480460e-01, v5;
	[tilespmem:v20+s22+$0x0] =	vst.idx.add.f32.msk $0xffff, v2  }
0x131: {  	v16 =	vshll.u32 v16, $0x4;
	v14 =	vshll.u32 v14, $0x4;
	v6 =	vadd.f32 $1.552480460e-01, v6;
	[tilespmem:v23+s22+$0x0] =	vst.idx.add.f32.msk $0xffff, v2  }
0x132: {  	v16 =	vor.u32 v0, v16;
	v4 =	vmul.f32 $6.400080200e+00, v4;
	v5 =	vmul.f32 $6.400080200e+00, v5;
	v60 =	vld [tilespmem:s28+$0x6000]  }
0x133: {  	v14 =	vor.u32 v0, v14;
	v21 =	vshll.u32 v21, $0x4;
	v6 =	vmul.f32 $6.400080200e+00, v6;
	[tilespmem:v22+s22+$0x0] =	vst.idx.add.f32.msk $0xffff, v2  }
0x134: {  	v15 =	vshll.u32 v58, $0x4;
	v4 =	vmin.f32 v4, $5.125000000e+02;
	v5 =	vmin.f32 v5, $5.125000000e+02;
	v61 =	vld [tilespmem:s28+$0x6010]  }
0x135: {  	v4 =	vtrunc.f32 v4;
	v6 =	vmin.f32 v6, $5.125000000e+02;
	v5 =	vtrunc.f32 v5;
	v62 =	vld [tilespmem:s28+$0x6020]  }
0x136: {  	v59 =	vor.u32 v0, v21;
	v4 =	vcvt.f32.s32 v4;
	v6 =	vtrunc.f32 v6  }
0x137: {  	v15 =	vor.u32 v0, v15;
	v5 =	vcvt.f32.s32 v5;
	v8 =	vmul.f32 v24, v8  }
0x138: {  	v6 =	vcvt.f32.s32 v6;
	v4 =	vshll.u32 v4, $0x4;
	v7 =	vmul.f32 v60, v7  }
0x139: {  	v5 =	vshll.u32 v5, $0x4;
	v8 =	vadd.f32 $1.552480460e-01, v8;
	v9 =	vmul.f32 v61, v9  }
0x13a: {  	v4 =	vor.u32 v0, v4;
	v10 =	vmul.f32 v62, v10;
	v7 =	vadd.f32 $1.552480460e-01, v7  }
0x13b: {  	v6 =	vshll.u32 v6, $0x4;
	v8 =	vmul.f32 $6.400080200e+00, v8;
	v9 =	vadd.f32 $1.552480460e-01, v9  }
0x13c: {  	v5 =	vor.u32 v0, v5;
	v10 =	vadd.f32 $1.552480460e-01, v10;
	v7 =	vmul.f32 $6.400080200e+00, v7  }
0x13d: {  	[tilespmem:v12+s23+$0x0] =	vst.idx.add.f32.msk $0xffff, v2;
	v6 =	vor.u32 v0, v6;
	v8 =	vmin.f32 v8, $5.125000000e+02;
	v9 =	vmul.f32 $6.400080200e+00, v9  }
0x13e: {  	[tilespmem:v11+s23+$0x0] =	vst.idx.add.f32.msk $0xffff, v2;
	v8 =	vtrunc.f32 v8;
	v10 =	vmul.f32 $6.400080200e+00, v10;
	v7 =	vmin.f32 v7, $5.125000000e+02  }
0x13f: {  	[tilespmem:v13+s23+$0x0] =	vst.idx.add.f32.msk $0xffff, v2;
	v8 =	vcvt.f32.s32 v8;
	v9 =	vmin.f32 v9, $5.125000000e+02;
	v7 =	vtrunc.f32 v7  }
0x140: {  	[tilespmem:v16+s23+$0x0] =	vst.idx.add.f32.msk $0xffff, v2;
	v10 =	vmin.f32 v10, $5.125000000e+02;
	v9 =	vtrunc.f32 v9;
	v7 =	vcvt.f32.s32 v7  }
0x141: {  	[tilespmem:v14+s23+$0x0] =	vst.idx.add.f32.msk $0xffff, v2;
	v8 =	vshll.u32 v8, $0x4;
	v10 =	vtrunc.f32 v10;
	v9 =	vcvt.f32.s32 v9  }
0x142: {  	[tilespmem:v59+s23+$0x0] =	vst.idx.add.f32.msk $0xffff, v2;
	v8 =	vor.u32 v0, v8;
	v10 =	vcvt.f32.s32 v10;
	v7 =	vshll.u32 v7, $0x4  }
0x143: {  	[tilespmem:v15+s23+$0x0] =	vst.idx.add.f32.msk $0xffff, v2;
	v9 =	vshll.u32 v9, $0x4;
	v7 =	vor.u32 v0, v7  }
0x144: {  	s3 =	sadd.s32 $0x1, s3;
	[tilespmem:v4+s23+$0x0] =	vst.idx.add.f32.msk $0xffff, v2;
	v63 =	vshll.u32 v10, $0x4;
	v9 =	vor.u32 v0, v9  }
0x145: {  	p0 =	sne.s32 s3, $0x10;
	[tilespmem:v5+s23+$0x0] =	vst.idx.add.f32.msk $0xffff, v2;
	v4 =	vor.u32 v0, v63  }
.Ltmp3:
0x146: {  	[tilespmem:v6+s23+$0x0] =	vst.idx.add.f32.msk $0xffff, v2;
	(pc) =	sbr.rel @p0 .LBB2_4-.Ltmp3, $4  }
0x147: {  	[tilespmem:v8+s23+$0x0] =	vst.idx.add.f32.msk $0xffff, v2  }
0x148: {  	[tilespmem:v7+s23+$0x0] =	vst.idx.add.f32.msk $0xffff, v2  }
0x149: {  	[tilespmem:v9+s23+$0x0] =	vst.idx.add.f32.msk $0xffff, v2  }
0x14a: {  	[tilespmem:v4+s23+$0x0] =	vst.idx.add.f32.msk $0xffff, v2  }
0x14b: {  	_ =	swait.ge [sflag:s16], $0x2000  }
0x14c: {  	s0 =	simm.s32 $0x10;
	[sflag:s16] =	ssyncset.done $0x0  }
0x14d: {  	s3 =	simm.s32 $0x0;
	v4 =	vmov s0;
	[sflag:s16] =	ssyncadd.s32 $0xFFFFE000  }
0x14e: {  	v5 =	vmov s3;
	v4 =	vshll.u32 v4, $0x4;
	_ =	swait.ge [sflag:s17], $0x2000  }
0x14f: {  	v5 =	vshll.u32 v5, $0x4;
	v4 =	vadd.s32 v3, v4;
	[sflag:s17] =	ssyncset.done $0x0  }
0x150: {  	v5 =	vor.u32 v3, v5;
	[sflag:s17] =	ssyncadd.s32 $0xFFFFE000  }
0x151: {  	_ =	swait.ge [sflag:s18], $0x2000  }
0x152: {  	v6 =	vor.u32 $0x1, v5;
	[sflag:s18] =	ssyncset.done $0x0  }
0x153: {  	[sflag:s18] =	ssyncadd.s32 $0xFFFFE000  }
0x154: {  	v7 =	vor.u32 $0x2, v5;
	v8 =	vld.idx.msk [tilespmem:v4+s22+$0x0], $0xffff  }
0x155: {  	v9 =	vld.idx.msk [tilespmem:v5+s22+$0x0], $0xffff  }
0x156: {  	v11 =	vor.u32 $0x3, v5;
	v10 =	vld.idx.msk [tilespmem:v5+s23+$0x0], $0xffff  }
0x157: {  	v12 =	vld.idx.msk [tilespmem:v6+s22+$0x0], $0xffff  }
0x158: {  	v13 =	vor.u32 $0x4, v5;
	v6 =	vld.idx.msk [tilespmem:v6+s23+$0x0], $0xffff  }
0x159: {  	v14 =	vld.idx.msk [tilespmem:v7+s22+$0x0], $0xffff  }
0x15a: {  	v15 =	vor.u32 $0x5, v5;
	v7 =	vld.idx.msk [tilespmem:v7+s23+$0x0], $0xffff  }
0x15b: {  	v16 =	vld.idx.msk [tilespmem:v11+s22+$0x0], $0xffff  }
0x15c: {  	v17 =	vor.u32 $0x6, v5;
	v11 =	vld.idx.msk [tilespmem:v11+s23+$0x0], $0xffff  }
0x15d: {  	v18 =	vld.idx.msk [tilespmem:v13+s22+$0x0], $0xffff  }
0x15e: {  	v19 =	vor.u32 $0x7, v5;
	v13 =	vld.idx.msk [tilespmem:v13+s23+$0x0], $0xffff  }
0x15f: {  	v20 =	vld.idx.msk [tilespmem:v15+s22+$0x0], $0xffff  }
0x160: {  	v21 =	vor.u32 $0x8, v5;
	v15 =	vld.idx.msk [tilespmem:v15+s23+$0x0], $0xffff  }
0x161: {  	v22 =	vld.idx.msk [tilespmem:v17+s22+$0x0], $0xffff  }
0x162: {  	v23 =	vor.u32 $0x9, v5;
	v17 =	vld.idx.msk [tilespmem:v17+s23+$0x0], $0xffff  }
0x163: {  	v24 =	vld.idx.msk [tilespmem:v19+s22+$0x0], $0xffff  }
0x164: {  	v25 =	vor.u32 $0xA, v5;
	v19 =	vld.idx.msk [tilespmem:v19+s23+$0x0], $0xffff  }
0x165: {  	v26 =	vld.idx.msk [tilespmem:v21+s22+$0x0], $0xffff  }
0x166: {  	v27 =	vor.u32 $0xB, v5;
	v21 =	vld.idx.msk [tilespmem:v21+s23+$0x0], $0xffff  }
0x167: {  	v28 =	vld.idx.msk [tilespmem:v23+s22+$0x0], $0xffff  }
0x168: {  	v31 =	vor.u32 $0xD, v5;
	v23 =	vld.idx.msk [tilespmem:v23+s23+$0x0], $0xffff  }
0x169: {  	v33 =	vor.u32 $0xE, v5;
	v30 =	vld.idx.msk [tilespmem:v25+s22+$0x0], $0xffff  }
0x16a: {  	v25 =	vld.idx.msk [tilespmem:v25+s23+$0x0], $0xffff  }
0x16b: {  	v49 =	vor.u32 $0x2, v4;
	v32 =	vld.idx.msk [tilespmem:v27+s22+$0x0], $0xffff  }
0x16c: {  	v50 =	vor.u32 $0x3, v4;
	v27 =	vld.idx.msk [tilespmem:v27+s23+$0x0], $0xffff  }
0x16d: {  	v52 =	vor.u32 $0x5, v4;
	v47 =	vld.idx.msk [tilespmem:v31+s23+$0x0], $0xffff;
	v9 =	vadd.f32 v12, v9  }
0x16e: {  	v55 =	vor.u32 $0x6, v4;
	v48 =	vld.idx.msk [tilespmem:v33+s23+$0x0], $0xffff;
	v6 =	vadd.f32 v6, v10  }
0x16f: {  	v51 =	vld.idx.msk [tilespmem:v4+s23+$0x0], $0xffff;
	v9 =	vadd.f32 v14, v9  }
0x170: {  	v58 =	vor.u32 $0x9, v4;
	v53 =	vld.idx.msk [tilespmem:v49+s23+$0x0], $0xffff;
	v6 =	vadd.f32 v7, v6  }
0x171: {  	v29 =	vor.u32 $0xC, v5;
	v54 =	vld.idx.msk [tilespmem:v50+s22+$0x0], $0xffff;
	v9 =	vadd.f32 v16, v9  }
0x172: {  	v56 =	vld.idx.msk [tilespmem:v52+s22+$0x0], $0xffff;
	v14 =	vor.u32 $0x1, v4;
	v6 =	vadd.f32 v11, v6  }
0x173: {  	v57 =	vld.idx.msk [tilespmem:v55+s22+$0x0], $0xffff;
	v9 =	vadd.f32 v18, v9  }
0x174: {  	v59 =	vld.idx.msk [tilespmem:v55+s23+$0x0], $0xffff;
	v6 =	vadd.f32 v13, v6  }
0x175: {  	v62 =	vld.idx.msk [tilespmem:v58+s22+$0x0], $0xffff;
	v9 =	vadd.f32 v20, v9  }
0x176: {  	v10 =	vld.idx.msk [tilespmem:v29+s22+$0x0], $0xffff;
	v6 =	vadd.f32 v15, v6  }
0x177: {  	v15 =	vld.idx.msk [tilespmem:v14+s22+$0x0], $0xffff;
	v9 =	vadd.f32 v22, v9  }
0x178: {  	v14 =	vld.idx.msk [tilespmem:v14+s23+$0x0], $0xffff;
	v20 =	vor.u32 $0x4, v4;
	v6 =	vadd.f32 v17, v6  }
0x179: {  	v22 =	vld.idx.msk [tilespmem:v49+s22+$0x0], $0xffff;
	v9 =	vadd.f32 v24, v9  }
0x17a: {  	v12 =	vld.idx.msk [tilespmem:v29+s23+$0x0], $0xffff;
	v6 =	vadd.f32 v19, v6  }
0x17b: {  	v7 =	vld.idx.msk [tilespmem:v31+s22+$0x0], $0xffff;
	v9 =	vadd.f32 v26, v9  }
0x17c: {  	v5 =	vor.u32 $0xF, v5;
	v18 =	vld.idx.msk [tilespmem:v50+s23+$0x0], $0xffff;
	v8 =	vadd.f32 v15, v8;
	v6 =	vadd.f32 v21, v6  }
0x17d: {  	v15 =	vld.idx.msk [tilespmem:v20+s22+$0x0], $0xffff;
	v14 =	vadd.f32 v14, v51;
	v9 =	vadd.f32 v28, v9  }
0x17e: {  	v20 =	vld.idx.msk [tilespmem:v20+s23+$0x0], $0xffff;
	v21 =	vor.u32 $0x7, v4;
	v8 =	vadd.f32 v22, v8;
	v6 =	vadd.f32 v23, v6  }
0x17f: {  	v11 =	vld.idx.msk [tilespmem:v33+s22+$0x0], $0xffff;
	v14 =	vadd.f32 v53, v14;
	v9 =	vadd.f32 v30, v9  }
0x180: {  	v22 =	vor.u32 $0x8, v4;
	v23 =	vld.idx.msk [tilespmem:v52+s23+$0x0], $0xffff;
	v8 =	vadd.f32 v54, v8;
	v6 =	vadd.f32 v25, v6  }
0x181: {  	v13 =	vld.idx.msk [tilespmem:v5+s22+$0x0], $0xffff;
	v14 =	vadd.f32 v18, v14;
	v9 =	vadd.f32 v32, v9  }
0x182: {  	v61 =	vor.u32 $0xB, v4;
	v5 =	vld.idx.msk [tilespmem:v5+s23+$0x0], $0xffff;
	v8 =	vadd.f32 v15, v8;
	v6 =	vadd.f32 v27, v6  }
0x183: {  	v15 =	vld.idx.msk [tilespmem:v21+s22+$0x0], $0xffff;
	v9 =	vadd.f32 v10, v9;
	v10 =	vadd.f32 v20, v14  }
0x184: {  	v60 =	vor.u32 $0xA, v4;
	v8 =	vadd.f32 v56, v8;
	v6 =	vadd.f32 v12, v6;
	v12 =	vld.idx.msk [tilespmem:v21+s23+$0x0], $0xffff  }
0x185: {  	v14 =	vld.idx.msk [tilespmem:v22+s22+$0x0], $0xffff;
	v7 =	vadd.f32 v7, v9;
	v10 =	vadd.f32 v23, v10  }
0x186: {  	v20 =	vld.idx.msk [tilespmem:v22+s23+$0x0], $0xffff;
	v8 =	vadd.f32 v57, v8;
	v9 =	vadd.f32 v47, v6  }
0x187: {  	v21 =	vld.idx.msk [tilespmem:v61+s22+$0x0], $0xffff;
	v6 =	vor.u32 $0xC, v4;
	v7 =	vadd.f32 v11, v7;
	v63 =	vadd.f32 v59, v10  }
0x188: {  	v8 =	vadd.f32 v15, v8;
	v9 =	vadd.f32 v48, v9;
	v11 =	vld.idx.msk [tilespmem:v58+s23+$0x0], $0xffff  }
0x189: {  	v10 =	vld.idx.msk [tilespmem:v60+s22+$0x0], $0xffff;
	v13 =	vadd.f32 v13, v7;
	v12 =	vadd.f32 v12, v63;
	v7 =	vor.u32 $0xD, v4  }
0x18a: {  	s0 =	simm.s32 $0x10110;
	v8 =	vadd.f32 v14, v8;
	v15 =	vadd.f32 v5, v9;
	v9 =	vld.idx.msk [tilespmem:v60+s23+$0x0], $0xffff  }
0x18b: {  	s3 =	simm.s32 $0x10310;
	v23 =	vld.idx.msk [tilespmem:v61+s23+$0x0], $0xffff;
	v5 =	vor.u32 $0xE, v4;
	[tilespmem:s0+$0xFFFFFFF0] =	vst v13;
	v12 =	vadd.f32 v20, v12  }
0x18c: {  	s28 =	simm.s32 $0x0;
	s30 =	simm.s32 $0x30;
	v4 =	vor.u32 $0xF, v4;
	v8 =	vadd.f32 v62, v8;
	v22 =	vld.idx.msk [tilespmem:v6+s22+$0x0], $0xffff;
	[tilespmem:s3+$0xFFFFFFF0] =	vst v15  }
.LBB2_10:
0x18d: {  	s4 =	sadd.s32 $0xFFFFFFF0, s30;
	v13 =	vmov s30;
	v11 =	vadd.f32 v11, v12;
	v24 =	vld.idx.msk [tilespmem:v6+s23+$0x0], $0xffff  }
0x18e: {  	v6 =	vmov s4;
	v12 =	vshll.u32 v13, $0x4;
	v25 =	vadd.f32 v10, v8;
	v26 =	vld.idx.msk [tilespmem:v7+s22+$0x0], $0xffff  }
0x18f: {  	s28 =	sadd.s32 $0x2, s28;
	v6 =	vshll.u32 v6, $0x4;
	v17 =	vadd.s32 v3, v12;
	v27 =	vadd.f32 v9, v11;
	v28 =	vld.idx.msk [tilespmem:v7+s23+$0x0], $0xffff  }
0x190: {  	p0 =	slt.u32 s28, $0x1E;
	v29 =	vor.u32 v3, v6;
	v19 =	vor.u32 $0x1, v17;
	v18 =	vor.u32 $0x2, v17;
	v30 =	vld.idx.msk [tilespmem:v5+s22+$0x0], $0xffff  }
0x191: {  	v16 =	vor.u32 $0x3, v17;
	v15 =	vor.u32 $0x4, v17;
	v14 =	vor.u32 $0x5, v17;
	v31 =	vld.idx.msk [tilespmem:v5+s23+$0x0], $0xffff  }
0x192: {  	v13 =	vor.u32 $0x6, v17;
	v12 =	vor.u32 $0x7, v17;
	v32 =	vor.u32 $0x1, v29;
	v33 =	vld.idx.msk [tilespmem:v4+s22+$0x0], $0xffff  }
0x193: {  	v11 =	vor.u32 $0x8, v17;
	v10 =	vor.u32 $0x9, v17;
	v9 =	vor.u32 $0xA, v17;
	v34 =	vld.idx.msk [tilespmem:v4+s23+$0x0], $0xffff  }
0x194: {  	v8 =	vor.u32 $0xB, v17;
	v6 =	vor.u32 $0xC, v17;
	v35 =	vor.u32 $0x2, v29;
	v20 =	vld.idx.msk [tilespmem:v17+s22+$0x0], $0xffff  }
0x195: {  	v7 =	vor.u32 $0xD, v17;
	v21 =	vadd.f32 v21, v25;
	v23 =	vadd.f32 v23, v27;
	v36 =	vld.idx.msk [tilespmem:v29+s22+$0x0], $0xffff  }
0x196: {  	v27 =	vor.u32 $0x3, v29;
	v5 =	vor.u32 $0xE, v17;
	v4 =	vor.u32 $0xF, v17;
	v25 =	vld.idx.msk [tilespmem:v29+s23+$0x0], $0xffff  }
0x197: {  	v21 =	vadd.f32 v22, v21;
	v22 =	vadd.f32 v24, v23;
	v37 =	vld.idx.msk [tilespmem:v32+s22+$0x0], $0xffff  }
0x198: {  	v24 =	vor.u32 $0x4, v29;
	v23 =	vld.idx.msk [tilespmem:v32+s23+$0x0], $0xffff  }
0x199: {  	v21 =	vadd.f32 v26, v21;
	v22 =	vadd.f32 v28, v22;
	v32 =	vld.idx.msk [tilespmem:v35+s22+$0x0], $0xffff  }
0x19a: {  	v28 =	vor.u32 $0x5, v29;
	v26 =	vld.idx.msk [tilespmem:v35+s23+$0x0], $0xffff  }
0x19b: {  	v21 =	vadd.f32 v30, v21;
	v22 =	vadd.f32 v31, v22;
	v35 =	vld.idx.msk [tilespmem:v27+s22+$0x0], $0xffff  }
0x19c: {  	v30 =	vor.u32 $0x6, v29;
	v27 =	vld.idx.msk [tilespmem:v27+s23+$0x0], $0xffff  }
0x19d: {  	v21 =	vadd.f32 v33, v21;
	v31 =	vadd.f32 v37, v36;
	v36 =	vld.idx.msk [tilespmem:v24+s22+$0x0], $0xffff  }
0x19e: {  	v22 =	vadd.f32 v34, v22;
	v23 =	vadd.f32 v23, v25;
	v25 =	vor.u32 $0x7, v29;
	v24 =	vld.idx.msk [tilespmem:v24+s23+$0x0], $0xffff  }
0x19f: {  	v31 =	vadd.f32 v32, v31;
	v32 =	vld.idx.msk [tilespmem:v28+s22+$0x0], $0xffff;
	[tilespmem:s0+$0x0] =	vst v21  }
0x1a0: {  	v21 =	vadd.f32 v26, v23;
	v26 =	vor.u32 $0x8, v29;
	v23 =	vld.idx.msk [tilespmem:v28+s23+$0x0], $0xffff;
	[tilespmem:s3+$0x0] =	vst v22  }
0x1a1: {  	v22 =	vadd.f32 v35, v31;
	v28 =	vld.idx.msk [tilespmem:v30+s22+$0x0], $0xffff  }
0x1a2: {  	v21 =	vadd.f32 v27, v21;
	v27 =	vld.idx.msk [tilespmem:v30+s23+$0x0], $0xffff;
	v30 =	vor.u32 $0x9, v29  }
0x1a3: {  	v22 =	vadd.f32 v36, v22;
	v31 =	vld.idx.msk [tilespmem:v25+s22+$0x0], $0xffff  }
0x1a4: {  	v21 =	vadd.f32 v24, v21;
	v24 =	vld.idx.msk [tilespmem:v25+s23+$0x0], $0xffff;
	v25 =	vor.u32 $0xA, v29  }
0x1a5: {  	v22 =	vadd.f32 v32, v22;
	v32 =	vld.idx.msk [tilespmem:v26+s22+$0x0], $0xffff  }
0x1a6: {  	v21 =	vadd.f32 v23, v21;
	v23 =	vld.idx.msk [tilespmem:v26+s23+$0x0], $0xffff;
	v26 =	vor.u32 $0xB, v29  }
0x1a7: {  	v22 =	vadd.f32 v28, v22;
	v28 =	vld.idx.msk [tilespmem:v30+s22+$0x0], $0xffff  }
0x1a8: {  	v21 =	vadd.f32 v27, v21;
	v27 =	vld.idx.msk [tilespmem:v30+s23+$0x0], $0xffff;
	v30 =	vor.u32 $0xC, v29  }
0x1a9: {  	v22 =	vadd.f32 v31, v22;
	v31 =	vld.idx.msk [tilespmem:v25+s22+$0x0], $0xffff  }
0x1aa: {  	v21 =	vadd.f32 v24, v21;
	v24 =	vld.idx.msk [tilespmem:v25+s23+$0x0], $0xffff;
	v25 =	vor.u32 $0xD, v29  }
0x1ab: {  	v22 =	vadd.f32 v32, v22;
	v32 =	vld.idx.msk [tilespmem:v26+s22+$0x0], $0xffff  }
0x1ac: {  	v21 =	vadd.f32 v23, v21;
	v23 =	vld.idx.msk [tilespmem:v26+s23+$0x0], $0xffff;
	v26 =	vor.u32 $0xE, v29  }
0x1ad: {  	v22 =	vadd.f32 v28, v22;
	v28 =	vld.idx.msk [tilespmem:v30+s22+$0x0], $0xffff  }
0x1ae: {  	v29 =	vor.u32 $0xF, v29;
	v21 =	vadd.f32 v27, v21;
	v27 =	vld.idx.msk [tilespmem:v30+s23+$0x0], $0xffff  }
0x1af: {  	v22 =	vadd.f32 v31, v22;
	v30 =	vld.idx.msk [tilespmem:v25+s22+$0x0], $0xffff  }
0x1b0: {  	v21 =	vadd.f32 v24, v21;
	v24 =	vld.idx.msk [tilespmem:v25+s23+$0x0], $0xffff  }
0x1b1: {  	v22 =	vadd.f32 v32, v22;
	v25 =	vld.idx.msk [tilespmem:v26+s22+$0x0], $0xffff  }
0x1b2: {  	v21 =	vadd.f32 v23, v21;
	v23 =	vld.idx.msk [tilespmem:v26+s23+$0x0], $0xffff  }
0x1b3: {  	v22 =	vadd.f32 v28, v22;
	v26 =	vld.idx.msk [tilespmem:v29+s22+$0x0], $0xffff  }
0x1b4: {  	v21 =	vadd.f32 v27, v21;
	v27 =	vld.idx.msk [tilespmem:v29+s23+$0x0], $0xffff  }
0x1b5: {  	v22 =	vadd.f32 v30, v22;
	v28 =	vld.idx.msk [tilespmem:v19+s22+$0x0], $0xffff  }
0x1b6: {  	v21 =	vadd.f32 v24, v21;
	v19 =	vld.idx.msk [tilespmem:v19+s23+$0x0], $0xffff  }
0x1b7: {  	v22 =	vadd.f32 v25, v22;
	v17 =	vld.idx.msk [tilespmem:v17+s23+$0x0], $0xffff  }
0x1b8: {  	v21 =	vadd.f32 v23, v21;
	v23 =	vld.idx.msk [tilespmem:v18+s22+$0x0], $0xffff  }
0x1b9: {  	v22 =	vadd.f32 v26, v22;
	v18 =	vld.idx.msk [tilespmem:v18+s23+$0x0], $0xffff  }
0x1ba: {  	s0 =	sadd.s32 $0x20, s0;
	v21 =	vadd.f32 v27, v21;
	v24 =	vld.idx.msk [tilespmem:v16+s22+$0x0], $0xffff  }
0x1bb: {  	s3 =	sadd.s32 $0x20, s3;
	v20 =	vadd.f32 v28, v20;
	[tilespmem:s0+$0xFFFFFFF0] =	vst v22;
	v16 =	vld.idx.msk [tilespmem:v16+s23+$0x0], $0xffff  }
0x1bc: {  	[tilespmem:s3+$0xFFFFFFF0] =	vst v21;
	v21 =	vld.idx.msk [tilespmem:v15+s22+$0x0], $0xffff  }
0x1bd: {  	v17 =	vadd.f32 v19, v17;
	v15 =	vld.idx.msk [tilespmem:v15+s23+$0x0], $0xffff  }
0x1be: {  	v19 =	vadd.f32 v23, v20;
	v20 =	vld.idx.msk [tilespmem:v14+s22+$0x0], $0xffff  }
0x1bf: {  	v17 =	vadd.f32 v18, v17;
	v14 =	vld.idx.msk [tilespmem:v14+s23+$0x0], $0xffff  }
0x1c0: {  	v18 =	vadd.f32 v24, v19;
	v19 =	vld.idx.msk [tilespmem:v13+s22+$0x0], $0xffff  }
0x1c1: {  	v16 =	vadd.f32 v16, v17;
	v13 =	vld.idx.msk [tilespmem:v13+s23+$0x0], $0xffff  }
0x1c2: {  	v17 =	vadd.f32 v21, v18;
	v18 =	vld.idx.msk [tilespmem:v12+s22+$0x0], $0xffff  }
0x1c3: {  	v15 =	vadd.f32 v15, v16;
	v12 =	vld.idx.msk [tilespmem:v12+s23+$0x0], $0xffff  }
0x1c4: {  	v16 =	vadd.f32 v20, v17;
	v17 =	vld.idx.msk [tilespmem:v11+s22+$0x0], $0xffff  }
0x1c5: {  	v14 =	vadd.f32 v14, v15;
	v15 =	vld.idx.msk [tilespmem:v11+s23+$0x0], $0xffff  }
0x1c6: {  	v16 =	vadd.f32 v19, v16;
	v19 =	vld.idx.msk [tilespmem:v10+s22+$0x0], $0xffff  }
0x1c7: {  	v13 =	vadd.f32 v13, v14;
	v11 =	vld.idx.msk [tilespmem:v10+s23+$0x0], $0xffff  }
.Ltmp4:
0x1c8: {  	v14 =	vadd.f32 v18, v16;
	v10 =	vld.idx.msk [tilespmem:v9+s22+$0x0], $0xffff;
	(pc) =	sbr.rel @p0 .LBB2_10-.Ltmp4, $4  }
0x1c9: {  	v12 =	vadd.f32 v12, v13;
	v9 =	vld.idx.msk [tilespmem:v9+s23+$0x0], $0xffff  }
0x1ca: {  	v13 =	vadd.f32 v17, v14;
	v21 =	vld.idx.msk [tilespmem:v8+s22+$0x0], $0xffff  }
0x1cb: {  	v12 =	vadd.f32 v15, v12;
	v23 =	vld.idx.msk [tilespmem:v8+s23+$0x0], $0xffff  }
0x1cc: {  	s30 =	sadd.s32 $0x20, s30;
	v8 =	vadd.f32 v19, v13;
	v22 =	vld.idx.msk [tilespmem:v6+s22+$0x0], $0xffff  }
0x1cd: {  	_ =	sdelay $0x2  }
0x1ce: {  	v11 =	vadd.f32 v11, v12  }
0x1cf: {  	v6 =	vld.idx.msk [tilespmem:v6+s23+$0x0], $0xffff;
	v8 =	vadd.f32 v10, v8  }
0x1d0: {  	v58 =	vld.idx.msk [tilespmem:v7+s22+$0x0], $0xffff;
	v9 =	vadd.f32 v9, v11  }
0x1d1: {  	v59 =	vld.idx.msk [tilespmem:v7+s23+$0x0], $0xffff;
	v8 =	vadd.f32 v21, v8  }
0x1d2: {  	v60 =	vld.idx.msk [tilespmem:v5+s22+$0x0], $0xffff;
	v9 =	vadd.f32 v23, v9  }
0x1d3: {  	v5 =	vld.idx.msk [tilespmem:v5+s23+$0x0], $0xffff;
	v8 =	vadd.f32 v22, v8  }
0x1d4: {  	v61 =	vld.idx.msk [tilespmem:v4+s22+$0x0], $0xffff;
	v6 =	vadd.f32 v6, v9  }
0x1d5: {  	v4 =	vld.idx.msk [tilespmem:v4+s23+$0x0], $0xffff;
	v8 =	vadd.f32 v58, v8  }
0x1d6: {  	v6 =	vadd.f32 v59, v6  }
0x1d7: {  	v62 =	vadd.f32 v60, v8  }
0x1d8: {  	v5 =	vadd.f32 v5, v6  }
0x1d9: {  	v63 =	vadd.f32 v61, v62  }
0x1da: {  	v4 =	vadd.f32 v4, v5  }
0x1db: {  	[tilespmem:s0+$0x0] =	vst v63  }
0x1dc: {  	[tilespmem:s3+$0x0] =	vst v4  }
0x1dd: {  	s11 =	simm.s32 $0x0;
	s4 =	simm.s32 $0x10100;
	s3 =	rddreg [dreg:$0x7]  }
0x1de: {  	[hbm4b:s3+s11] =	stream.linear.scatter [tilespmem:s4], [sflag:$0x7], $0x200, $0x38;
	[tilespmem:$0x10500] =	vst v63  }
0x1df: {  	s31 =	sadd.s32 $0x1, s31;
	_ =	swait.ge [sflag:s29], $0x200  }
0x1e0: {  	s30 =	simm.s32 $0x10300;
	p0 =	sne.s32 s31, s12;
	[sflag:s29] =	ssyncset.done $0x0  }
.Ltmp5:
0x1e1: {  	s28 =	rddreg [dreg:$0x8];
	[sflag:s29] =	ssyncadd.s32 $0xFFFFFE00;
	(pc) =	sbr.rel @p0 .LBB2_1-.Ltmp5, $4  }
0x1e2: {  	[hbm4b:s28+s11] =	stream.linear.scatter [tilespmem:s30], [sflag:$0x7], $0x200, $0x38;
	[tilespmem:$0x10500] =	vst v63  }
0x1e3: {  	_ =	swait.ge [sflag:s29], $0x200  }
0x1e4: {  	[sflag:s29] =	ssyncset.done $0x0  }
0x1e5: {  	[sflag:s29] =	ssyncadd.s32 $0xFFFFFE00  }
0x1e6: {  	_ =	sfence.sel $0x180000  }
0x1e7: {  	[bflag:$0x0] =	sbarrier.arrive $0xFFFF  }
0x1e8: {  	_ =	strace $0x90000047  }
0x1e9: {  	s0 =	stileid.u32;
	[bflag:$0x2] =	sbarrier.arrive $0xFFFF  }
0x1ea: {  	p0 =	sne.s32 s0, $0x0;
	s0 =	rddreg [dreg:$0x3]  }
0x1eb: {  	s0 =	sadd.s32 @!p0 $0x100000, s0  }
0x1ec: {  	[sflag:s0] =	ssyncadd.tile.s32 @!p0 $0x1;
	_ =	shalt  }
.Lfunc_end2:
_tile_overlayer_lowered:
.L_overlay_start_2:
0x1ed: {  	(tag) =	ssettag $0x2  }
0x1ee: {  	s0 =	rddreg [dreg:$0x0];
	s2 =	stileid.u32  }
0x1ef: {  	s1 =	rddreg [dreg:$0x1];
	p0 =	sne.s32 s2, $0x0  }
0x1f0: {  	s3 =	rddreg [dreg:$0x2];
	[bflag:$0x3] =	sbarrier.arrive $0xFFFF;
	s2 =	simm.s32 @!p0 $0x1C07  }
0x1f1: {  	[timem:s3], [sflag:s2] =	dma.local @!p0 [hbm:s0], s1  }
0x1f2: {  	s0 =	simm.s32 @!p0 $0x7  }
0x1f3: {  	_ =	swait.ge @!p0 [sflag:s0], s1  }
0x1f4: {  	s1 =	ssub.s32 @!p0 $0x0, s1;
	[sflag:s0] =	ssyncset.done @!p0 $0x0  }
0x1f5: {  	[sflag:s0] =	ssyncadd.s32 @!p0 s1  }
0x1f6: {  	[bflag:$0x3] =	sbarrier.arrive $0xFFFF  }
0x1f7: {  	_ =	shalt  }

</sc_bundles>
